<compile_context>
chip_gen: v7x
topology: tpu7x:2x2x1
jax: 0.10.2.dev20260603
libtpu: 0.0.44.dev20260713+nightly
codegen_flags: <defaults>
</compile_context>

<pallas_src>
import functools

import jax
import jax.numpy as jnp
from jax import lax
from jax.experimental import pallas as pl
from jax.experimental.pallas import tpu as pltpu
from jax.experimental.pallas import tpu_sc as plsc

EMBED_DIM = 1024
NUM_CORES = 2
NUM_SUBCORES = 16
NUM_WORKERS = NUM_CORES * NUM_SUBCORES
CHUNK = 16
NBUF = 4


def kernel(positions, weights):
    b, s = positions.shape
    n = b * s
    flat_idx = positions.reshape(n).astype(jnp.int32)
    b_per_w = n // NUM_WORKERS
    n_chunks = b_per_w // CHUNK

    mesh = plsc.VectorSubcoreMesh(core_axis_name="c", subcore_axis_name="s")

    @functools.partial(
        pl.kernel,
        mesh=mesh,
        out_type=jax.ShapeDtypeStruct((n, EMBED_DIM), weights.dtype),
        scratch_types=[
            pltpu.VMEM((b_per_w,), jnp.int32),
            pltpu.VMEM((NBUF, CHUNK, EMBED_DIM), jnp.float32),
            pltpu.SemaphoreType.DMA((NBUF,)),
            pltpu.SemaphoreType.DMA((NBUF,)),
        ],
    )
    def gather_kernel(table_hbm, idx_hbm, out_hbm, idx_v, rows_v, gsem, wsem):
        wid = lax.axis_index("s") * NUM_CORES + lax.axis_index("c")
        base = wid * b_per_w
        pltpu.sync_copy(idx_hbm.at[pl.ds(base, b_per_w)], idx_v)

        def gather(cc, bi):
            return pltpu.make_async_copy(
                table_hbm.at[idx_v.at[pl.ds(cc * CHUNK, CHUNK)]],
                rows_v.at[bi],
                gsem.at[bi],
            )

        def writeback(cc, bi):
            return pltpu.make_async_copy(
                rows_v.at[bi],
                out_hbm.at[pl.ds(base + cc * CHUNK, CHUNK)],
                wsem.at[bi],
            )

        for bi in range(NBUF):
            gather(bi, bi).start()

        @pl.loop(0, n_chunks, step=NBUF)
        def _(c):
            for bi in range(NBUF):
                cc = c + bi
                gather(cc, bi).wait()
                writeback(cc, bi).start()

                @pl.when(cc + NBUF < n_chunks)
                def _():
                    writeback(cc, bi).wait()
                    gather(cc + NBUF, bi).start()

        for bi in range(NBUF):
            writeback(n_chunks - NBUF + bi, bi).wait()

    out = gather_kernel(weights, flat_idx)
    return out.reshape(b, s, EMBED_DIM)

# --- scband reference (transcript-rebuilt; emitter-appended) ---
"""Pipeline reference for scband-sinusoidal-positional-embedding-62517543960958 (READ-ONLY COPY).

The authoritative reference and input builder live on the scoring server;
editing this copy changes nothing except your own understanding.
"""

import math
import jax, jax.numpy as jnp
import numpy as np

EMBEDDING_DIM = 1024
INIT_SIZE = 4096


def get_embedding(num_embeddings, embedding_dim):
    half_dim = embedding_dim // 2
    emb = math.log(10000) / (half_dim - 1)
    emb = jnp.exp(jnp.arange(half_dim, dtype=jnp.float32) * -emb)
    emb = jnp.arange(num_embeddings, dtype=jnp.float32)[:, None] * emb[None, :]
    emb = jnp.concatenate([jnp.sin(emb), jnp.cos(emb)], axis=1).reshape(num_embeddings, -1)
    if embedding_dim % 2 == 1:
        emb = jnp.concatenate([emb, jnp.zeros((num_embeddings, 1), dtype=jnp.float32)], axis=1)
    return emb


def setup_inputs(seed: int = 0) -> dict:
    key = jax.random.key(seed)
    positions = jax.random.randint(key, (4, 4096), 0, INIT_SIZE, dtype=jnp.int64 if jax.config.jax_enable_x64 else jnp.int32)
    weights = get_embedding(INIT_SIZE, EMBEDDING_DIM)
    return {"positions": positions, "weights": weights}


def reference(positions, weights):
    # weights[positions.reshape(-1)].view(positions.size() + (-1,))
    flat = positions.reshape(-1)
    out = jnp.take(weights, flat, axis=0)
    out = out.reshape(positions.shape + (-1,))
    return out

if __name__ == "__main__":
    import jax
    _d = setup_inputs()
    print(jax.jit(kernel)(*tuple(_d.values())))

</pallas_src>

<mosaic_0001>
#map = affine_map<(d0, d1) -> (0, 0)>
#map1 = affine_map<(d0, d1) -> (0)>
module attributes {stable_mosaic.version = 14 : i64} {
  func.func @gather_kernel(%arg0: i32, %arg1: i32, %arg2: memref<4096x1024xf32, #tpu.memory_space<hbm>>, %arg3: memref<16384xi32, #tpu.memory_space<hbm>>, %arg4: memref<16384x1024xf32, #tpu.memory_space<hbm>>, %arg5: memref<512xi32, #tpu.memory_space<vmem>>, %arg6: memref<4x16x1024xf32, #tpu.memory_space<vmem>>, %arg7: memref<4x!tpu.dma_semaphore, #tpu.memory_space<semaphore_mem>>, %arg8: memref<4x!tpu.dma_semaphore, #tpu.memory_space<semaphore_mem>>) attributes {dimension_semantics = [#tpu.dimension_semantics<core_parallel>, #tpu.dimension_semantics<subcore_parallel>], iteration_bounds = array<i64: 2, 16>, scalar_prefetch = 0 : i64, scratch_operands = 4 : i64, tpu.core_type = #tpu.core_type<sc_vector_subcore>, window_params = [{transform_indices = #map}, {transform_indices = #map1}, {transform_indices = #map}]} {
    %mul3A = arith.constant 2 : i32
    %mul3A_0 = arith.muli %arg1, %mul3A : i32
    %add3A = arith.addi %mul3A_0, %arg0 : i32
    %mul3A_1 = arith.constant 512 : i32
    %mul3A_2 = arith.muli %add3A, %mul3A_1 : i32
    "tpu.region"() ({
      %run_scoped3A = tpu.sem_alloc : memref<!tpu.dma_semaphore, #tpu.memory_space<semaphore_mem>>
      %dma_start3A_129 = tpu.memref_slice %arg3[%mul3A_2] : memref<16384xi32, #tpu.memory_space<hbm>> -> memref<512xi32, #tpu.memory_space<hbm>>
      %dma_start3A_130 = tpu.memref_slice %arg3[%mul3A_2] : memref<16384xi32, #tpu.memory_space<hbm>> -> memref<512xi32, #tpu.memory_space<hbm>>
      tpu.enqueue_dma source(%dma_start3A_130 : memref<512xi32, #tpu.memory_space<hbm>>) target(%arg5 : memref<512xi32, #tpu.memory_space<vmem>>) target_semaphore(%run_scoped3A : memref<!tpu.dma_semaphore, #tpu.memory_space<semaphore_mem>>)
      %dma_wait3A_131 = tpu.memref_slice %arg3[%mul3A_2] : memref<16384xi32, #tpu.memory_space<hbm>> -> memref<512xi32, #tpu.memory_space<hbm>>
      %dma_wait3A_132 = tpu.memref_slice %arg3[%mul3A_2] : memref<16384xi32, #tpu.memory_space<hbm>> -> memref<512xi32, #tpu.memory_space<hbm>>
      tpu.wait_dma2 semaphore(%run_scoped3A : memref<!tpu.dma_semaphore, #tpu.memory_space<semaphore_mem>>) src(%dma_wait3A_132 : memref<512xi32, #tpu.memory_space<hbm>>) dst(%arg5 : memref<512xi32, #tpu.memory_space<vmem>>)
      tpu.yield
    }) : () -> ()
    %dma_start3A = arith.constant 0 : i32
    %dma_start3A_3 = arith.constant 0 : i32
    %dma_start3A_4 = arith.constant 0 : i32
    %dma_start3A_5 = arith.constant 0 : i32
    %dma_start3A_6 = tpu.memref_slice %arg6[%dma_start3A, %dma_start3A_4, %dma_start3A_5] : memref<4x16x1024xf32, #tpu.memory_space<vmem>> -> memref<1x16x1024xf32, #tpu.memory_space<vmem>>
    %dma_start3A_7 = tpu.memref_squeeze %dma_start3A_6 : memref<1x16x1024xf32, #tpu.memory_space<vmem>> -> memref<16x1024xf32, #tpu.memory_space<vmem>>
    %dma_start3A_8 = arith.constant 0 : i32
    %dma_start3A_9 = tpu.memref_slice %arg5[%dma_start3A_8] : memref<512xi32, #tpu.memory_space<vmem>> -> memref<16xi32, #tpu.memory_space<vmem>>
    %dma_start3A_10 = arith.constant 0 : i32
    %dma_start3A_11 = arith.constant 0 : i32
    %dma_start3A_12 = tpu.memref_slice %arg2[%dma_start3A_10, %dma_start3A_11] : memref<4096x1024xf32, #tpu.memory_space<hbm>> -> memref<4096x1024xf32, #tpu.memory_space<hbm>>
    %dma_start3A_13 = tpu.memref_slice %arg7[%dma_start3A_3] : memref<4x!tpu.dma_semaphore, #tpu.memory_space<semaphore_mem>> -> memref<1x!tpu.dma_semaphore, #tpu.memory_space<semaphore_mem>>
    %dma_start3A_14 = tpu.memref_squeeze %dma_start3A_13 : memref<1x!tpu.dma_semaphore, #tpu.memory_space<semaphore_mem>> -> memref<!tpu.dma_semaphore, #tpu.memory_space<semaphore_mem>>
    tpu.enqueue_indirect_dma source(%dma_start3A_12 : memref<4096x1024xf32, #tpu.memory_space<hbm>>) target(%dma_start3A_7 : memref<16x1024xf32, #tpu.memory_space<vmem>>) offsets(%dma_start3A_9 : memref<16xi32, #tpu.memory_space<vmem>>) semaphore(%dma_start3A_14 : memref<!tpu.dma_semaphore, #tpu.memory_space<semaphore_mem>>)
    %dma_start3A_15 = arith.constant 1 : i32
    %dma_start3A_16 = arith.constant 1 : i32
    %dma_start3A_17 = arith.constant 0 : i32
    %dma_start3A_18 = arith.constant 0 : i32
    %dma_start3A_19 = tpu.memref_slice %arg6[%dma_start3A_15, %dma_start3A_17, %dma_start3A_18] : memref<4x16x1024xf32, #tpu.memory_space<vmem>> -> memref<1x16x1024xf32, #tpu.memory_space<vmem>>
    %dma_start3A_20 = tpu.memref_squeeze %dma_start3A_19 : memref<1x16x1024xf32, #tpu.memory_space<vmem>> -> memref<16x1024xf32, #tpu.memory_space<vmem>>
    %dma_start3A_21 = arith.constant 16 : i32
    %dma_start3A_22 = tpu.memref_slice %arg5[%dma_start3A_21] : memref<512xi32, #tpu.memory_space<vmem>> -> memref<16xi32, #tpu.memory_space<vmem>>
    %dma_start3A_23 = arith.constant 0 : i32
    %dma_start3A_24 = arith.constant 0 : i32
    %dma_start3A_25 = tpu.memref_slice %arg2[%dma_start3A_23, %dma_start3A_24] : memref<4096x1024xf32, #tpu.memory_space<hbm>> -> memref<4096x1024xf32, #tpu.memory_space<hbm>>
    %dma_start3A_26 = tpu.memref_slice %arg7[%dma_start3A_16] : memref<4x!tpu.dma_semaphore, #tpu.memory_space<semaphore_mem>> -> memref<1x!tpu.dma_semaphore, #tpu.memory_space<semaphore_mem>>
    %dma_start3A_27 = tpu.memref_squeeze %dma_start3A_26 : memref<1x!tpu.dma_semaphore, #tpu.memory_space<semaphore_mem>> -> memref<!tpu.dma_semaphore, #tpu.memory_space<semaphore_mem>>
    tpu.enqueue_indirect_dma source(%dma_start3A_25 : memref<4096x1024xf32, #tpu.memory_space<hbm>>) target(%dma_start3A_20 : memref<16x1024xf32, #tpu.memory_space<vmem>>) offsets(%dma_start3A_22 : memref<16xi32, #tpu.memory_space<vmem>>) semaphore(%dma_start3A_27 : memref<!tpu.dma_semaphore, #tpu.memory_space<semaphore_mem>>)
    %dma_start3A_28 = arith.constant 2 : i32
    %dma_start3A_29 = arith.constant 2 : i32
    %dma_start3A_30 = arith.constant 0 : i32
    %dma_start3A_31 = arith.constant 0 : i32
    %dma_start3A_32 = tpu.memref_slice %arg6[%dma_start3A_28, %dma_start3A_30, %dma_start3A_31] : memref<4x16x1024xf32, #tpu.memory_space<vmem>> -> memref<1x16x1024xf32, #tpu.memory_space<vmem>>
    %dma_start3A_33 = tpu.memref_squeeze %dma_start3A_32 : memref<1x16x1024xf32, #tpu.memory_space<vmem>> -> memref<16x1024xf32, #tpu.memory_space<vmem>>
    %dma_start3A_34 = arith.constant 32 : i32
    %dma_start3A_35 = tpu.memref_slice %arg5[%dma_start3A_34] : memref<512xi32, #tpu.memory_space<vmem>> -> memref<16xi32, #tpu.memory_space<vmem>>
    %dma_start3A_36 = arith.constant 0 : i32
    %dma_start3A_37 = arith.constant 0 : i32
    %dma_start3A_38 = tpu.memref_slice %arg2[%dma_start3A_36, %dma_start3A_37] : memref<4096x1024xf32, #tpu.memory_space<hbm>> -> memref<4096x1024xf32, #tpu.memory_space<hbm>>
    %dma_start3A_39 = tpu.memref_slice %arg7[%dma_start3A_29] : memref<4x!tpu.dma_semaphore, #tpu.memory_space<semaphore_mem>> -> memref<1x!tpu.dma_semaphore, #tpu.memory_space<semaphore_mem>>
    %dma_start3A_40 = tpu.memref_squeeze %dma_start3A_39 : memref<1x!tpu.dma_semaphore, #tpu.memory_space<semaphore_mem>> -> memref<!tpu.dma_semaphore, #tpu.memory_space<semaphore_mem>>
    tpu.enqueue_indirect_dma source(%dma_start3A_38 : memref<4096x1024xf32, #tpu.memory_space<hbm>>) target(%dma_start3A_33 : memref<16x1024xf32, #tpu.memory_space<vmem>>) offsets(%dma_start3A_35 : memref<16xi32, #tpu.memory_space<vmem>>) semaphore(%dma_start3A_40 : memref<!tpu.dma_semaphore, #tpu.memory_space<semaphore_mem>>)
    %dma_start3A_41 = arith.constant 3 : i32
    %dma_start3A_42 = arith.constant 3 : i32
    %dma_start3A_43 = arith.constant 0 : i32
    %dma_start3A_44 = arith.constant 0 : i32
    %dma_start3A_45 = tpu.memref_slice %arg6[%dma_start3A_41, %dma_start3A_43, %dma_start3A_44] : memref<4x16x1024xf32, #tpu.memory_space<vmem>> -> memref<1x16x1024xf32, #tpu.memory_space<vmem>>
    %dma_start3A_46 = tpu.memref_squeeze %dma_start3A_45 : memref<1x16x1024xf32, #tpu.memory_space<vmem>> -> memref<16x1024xf32, #tpu.memory_space<vmem>>
    %dma_start3A_47 = arith.constant 48 : i32
    %dma_start3A_48 = tpu.memref_slice %arg5[%dma_start3A_47] : memref<512xi32, #tpu.memory_space<vmem>> -> memref<16xi32, #tpu.memory_space<vmem>>
    %dma_start3A_49 = arith.constant 0 : i32
    %dma_start3A_50 = arith.constant 0 : i32
    %dma_start3A_51 = tpu.memref_slice %arg2[%dma_start3A_49, %dma_start3A_50] : memref<4096x1024xf32, #tpu.memory_space<hbm>> -> memref<4096x1024xf32, #tpu.memory_space<hbm>>
    %dma_start3A_52 = tpu.memref_slice %arg7[%dma_start3A_42] : memref<4x!tpu.dma_semaphore, #tpu.memory_space<semaphore_mem>> -> memref<1x!tpu.dma_semaphore, #tpu.memory_space<semaphore_mem>>
    %dma_start3A_53 = tpu.memref_squeeze %dma_start3A_52 : memref<1x!tpu.dma_semaphore, #tpu.memory_space<semaphore_mem>> -> memref<!tpu.dma_semaphore, #tpu.memory_space<semaphore_mem>>
    tpu.enqueue_indirect_dma source(%dma_start3A_51 : memref<4096x1024xf32, #tpu.memory_space<hbm>>) target(%dma_start3A_46 : memref<16x1024xf32, #tpu.memory_space<vmem>>) offsets(%dma_start3A_48 : memref<16xi32, #tpu.memory_space<vmem>>) semaphore(%dma_start3A_53 : memref<!tpu.dma_semaphore, #tpu.memory_space<semaphore_mem>>)
    %scan3A = arith.constant 0 : i32
    %scan3A_54 = arith.constant 8 : i32
    %scan3A_55 = arith.addi %scan3A, %scan3A_54 : i32
    %scan3A_56 = arith.constant 1 : i32
    scf.for %scan3A_129 = %scan3A to %scan3A_55 step %scan3A_56  : i32 {
      %mul3A_130 = arith.constant 4 : i32
      %mul3A_131 = arith.muli %scan3A_129, %mul3A_130 : i32
      %add3A_132 = arith.constant 0 : i32
      %add3A_133 = arith.addi %add3A_132, %mul3A_131 : i32
      %add3A_134 = arith.constant 0 : i32
      %add3A_135 = arith.addi %add3A_133, %add3A_134 : i32
      %mul3A_136 = arith.constant 16 : i32
      %mul3A_137 = arith.muli %add3A_135, %mul3A_136 : i32
      %dma_wait3A_138 = arith.constant 0 : i32
      %dma_wait3A_139 = arith.constant 0 : i32
      %dma_wait3A_140 = arith.constant 0 : i32
      %dma_wait3A_141 = arith.constant 0 : i32
      %dma_wait3A_142 = tpu.memref_slice %arg6[%dma_wait3A_138, %dma_wait3A_140, %dma_wait3A_141] : memref<4x16x1024xf32, #tpu.memory_space<vmem>> -> memref<1x16x1024xf32, #tpu.memory_space<vmem>>
      %dma_wait3A_143 = tpu.memref_squeeze %dma_wait3A_142 : memref<1x16x1024xf32, #tpu.memory_space<vmem>> -> memref<16x1024xf32, #tpu.memory_space<vmem>>
      %dma_wait3A_144 = tpu.memref_slice %arg5[%mul3A_137] : memref<512xi32, #tpu.memory_space<vmem>> -> memref<16xi32, #tpu.memory_space<vmem>>
      %dma_wait3A_145 = arith.constant 0 : i32
      %dma_wait3A_146 = arith.constant 0 : i32
      %dma_wait3A_147 = tpu.memref_slice %arg2[%dma_wait3A_145, %dma_wait3A_146] : memref<4096x1024xf32, #tpu.memory_space<hbm>> -> memref<4096x1024xf32, #tpu.memory_space<hbm>>
      %dma_wait3A_148 = tpu.memref_slice %arg7[%dma_wait3A_139] : memref<4x!tpu.dma_semaphore, #tpu.memory_space<semaphore_mem>> -> memref<1x!tpu.dma_semaphore, #tpu.memory_space<semaphore_mem>>
      %dma_wait3A_149 = tpu.memref_squeeze %dma_wait3A_148 : memref<1x!tpu.dma_semaphore, #tpu.memory_space<semaphore_mem>> -> memref<!tpu.dma_semaphore, #tpu.memory_space<semaphore_mem>>
      tpu.wait_indirect_dma semaphore(%dma_wait3A_149 : memref<!tpu.dma_semaphore, #tpu.memory_space<semaphore_mem>>) src(%dma_wait3A_147 : memref<4096x1024xf32, #tpu.memory_space<hbm>>) dst(%dma_wait3A_143 : memref<16x1024xf32, #tpu.memory_space<vmem>>)
      %mul3A_150 = arith.constant 16 : i32
      %mul3A_151 = arith.muli %add3A_135, %mul3A_150 : i32
      %add3A_152 = arith.addi %mul3A_2, %mul3A_151 : i32
      %dma_start3A_153 = arith.constant 0 : i32
      %dma_start3A_154 = arith.constant 0 : i32
      %dma_start3A_155 = arith.constant 0 : i32
      %dma_start3A_156 = arith.constant 0 : i32
      %dma_start3A_157 = tpu.memref_slice %arg6[%dma_start3A_153, %dma_start3A_155, %dma_start3A_156] : memref<4x16x1024xf32, #tpu.memory_space<vmem>> -> memref<1x16x1024xf32, #tpu.memory_space<vmem>>
      %dma_start3A_158 = tpu.memref_squeeze %dma_start3A_157 : memref<1x16x1024xf32, #tpu.memory_space<vmem>> -> memref<16x1024xf32, #tpu.memory_space<vmem>>
      %dma_start3A_159 = arith.constant 0 : i32
      %dma_start3A_160 = tpu.memref_slice %arg4[%add3A_152, %dma_start3A_159] : memref<16384x1024xf32, #tpu.memory_space<hbm>> -> memref<16x1024xf32, #tpu.memory_space<hbm>>
      %dma_start3A_161 = tpu.memref_slice %arg8[%dma_start3A_154] : memref<4x!tpu.dma_semaphore, #tpu.memory_space<semaphore_mem>> -> memref<1x!tpu.dma_semaphore, #tpu.memory_space<semaphore_mem>>
      %dma_start3A_162 = tpu.memref_squeeze %dma_start3A_161 : memref<1x!tpu.dma_semaphore, #tpu.memory_space<semaphore_mem>> -> memref<!tpu.dma_semaphore, #tpu.memory_space<semaphore_mem>>
      %dma_start3A_163 = arith.constant 0 : i32
      %dma_start3A_164 = tpu.memref_slice %arg4[%add3A_152, %dma_start3A_163] : memref<16384x1024xf32, #tpu.memory_space<hbm>> -> memref<16x1024xf32, #tpu.memory_space<hbm>>
      %dma_start3A_165 = arith.constant 0 : i32
      %dma_start3A_166 = arith.constant 0 : i32
      %dma_start3A_167 = tpu.memref_slice %arg6[%dma_start3A_153, %dma_start3A_165, %dma_start3A_166] : memref<4x16x1024xf32, #tpu.memory_space<vmem>> -> memref<1x16x1024xf32, #tpu.memory_space<vmem>>
      %dma_start3A_168 = tpu.memref_squeeze %dma_start3A_167 : memref<1x16x1024xf32, #tpu.memory_space<vmem>> -> memref<16x1024xf32, #tpu.memory_space<vmem>>
      tpu.enqueue_dma source(%dma_start3A_168 : memref<16x1024xf32, #tpu.memory_space<vmem>>) target(%dma_start3A_164 : memref<16x1024xf32, #tpu.memory_space<hbm>>) target_semaphore(%dma_start3A_162 : memref<!tpu.dma_semaphore, #tpu.memory_space<semaphore_mem>>)
      %add3A_169 = arith.constant 4 : i32
      %add3A_170 = arith.addi %add3A_135, %add3A_169 : i32
      %lt3A = arith.constant 32 : i32
      %lt3A_171 = arith.cmpi slt, %add3A_170, %lt3A : i32
      %convert_element_type3A = arith.extui %lt3A_171 : i1 to i32
      %cond3A = arith.constant 0 : i32
      %cond3A_172 = arith.cmpi ne, %convert_element_type3A, %cond3A : i32
      scf.if %cond3A_172 {
        %mul3A_299 = arith.constant 16 : i32
        %mul3A_300 = arith.muli %add3A_135, %mul3A_299 : i32
        %add3A_301 = arith.addi %mul3A_2, %mul3A_300 : i32
        %dma_wait3A_302 = arith.constant 0 : i32
        %dma_wait3A_303 = arith.constant 0 : i32
        %dma_wait3A_304 = arith.constant 0 : i32
        %dma_wait3A_305 = arith.constant 0 : i32
        %dma_wait3A_306 = tpu.memref_slice %arg6[%dma_wait3A_302, %dma_wait3A_304, %dma_wait3A_305] : memref<4x16x1024xf32, #tpu.memory_space<vmem>> -> memref<1x16x1024xf32, #tpu.memory_space<vmem>>
        %dma_wait3A_307 = tpu.memref_squeeze %dma_wait3A_306 : memref<1x16x1024xf32, #tpu.memory_space<vmem>> -> memref<16x1024xf32, #tpu.memory_space<vmem>>
        %dma_wait3A_308 = arith.constant 0 : i32
        %dma_wait3A_309 = tpu.memref_slice %arg4[%add3A_301, %dma_wait3A_308] : memref<16384x1024xf32, #tpu.memory_space<hbm>> -> memref<16x1024xf32, #tpu.memory_space<hbm>>
        %dma_wait3A_310 = tpu.memref_slice %arg8[%dma_wait3A_303] : memref<4x!tpu.dma_semaphore, #tpu.memory_space<semaphore_mem>> -> memref<1x!tpu.dma_semaphore, #tpu.memory_space<semaphore_mem>>
        %dma_wait3A_311 = tpu.memref_squeeze %dma_wait3A_310 : memref<1x!tpu.dma_semaphore, #tpu.memory_space<semaphore_mem>> -> memref<!tpu.dma_semaphore, #tpu.memory_space<semaphore_mem>>
        %dma_wait3A_312 = arith.constant 0 : i32
        %dma_wait3A_313 = tpu.memref_slice %arg4[%add3A_301, %dma_wait3A_312] : memref<16384x1024xf32, #tpu.memory_space<hbm>> -> memref<16x1024xf32, #tpu.memory_space<hbm>>
        %dma_wait3A_314 = arith.constant 0 : i32
        %dma_wait3A_315 = arith.constant 0 : i32
        %dma_wait3A_316 = tpu.memref_slice %arg6[%dma_wait3A_302, %dma_wait3A_314, %dma_wait3A_315] : memref<4x16x1024xf32, #tpu.memory_space<vmem>> -> memref<1x16x1024xf32, #tpu.memory_space<vmem>>
        %dma_wait3A_317 = tpu.memref_squeeze %dma_wait3A_316 : memref<1x16x1024xf32, #tpu.memory_space<vmem>> -> memref<16x1024xf32, #tpu.memory_space<vmem>>
        tpu.wait_dma2 semaphore(%dma_wait3A_311 : memref<!tpu.dma_semaphore, #tpu.memory_space<semaphore_mem>>) src(%dma_wait3A_317 : memref<16x1024xf32, #tpu.memory_space<vmem>>) dst(%dma_wait3A_313 : memref<16x1024xf32, #tpu.memory_space<hbm>>)
        %add3A_318 = arith.constant 4 : i32
        %add3A_319 = arith.addi %add3A_135, %add3A_318 : i32
        %mul3A_320 = arith.constant 16 : i32
        %mul3A_321 = arith.muli %add3A_319, %mul3A_320 : i32
        %dma_start3A_322 = arith.constant 0 : i32
        %dma_start3A_323 = arith.constant 0 : i32
        %dma_start3A_324 = arith.constant 0 : i32
        %dma_start3A_325 = arith.constant 0 : i32
        %dma_start3A_326 = tpu.memref_slice %arg6[%dma_start3A_322, %dma_start3A_324, %dma_start3A_325] : memref<4x16x1024xf32, #tpu.memory_space<vmem>> -> memref<1x16x1024xf32, #tpu.memory_space<vmem>>
        %dma_start3A_327 = tpu.memref_squeeze %dma_start3A_326 : memref<1x16x1024xf32, #tpu.memory_space<vmem>> -> memref<16x1024xf32, #tpu.memory_space<vmem>>
        %dma_start3A_328 = tpu.memref_slice %arg5[%mul3A_321] : memref<512xi32, #tpu.memory_space<vmem>> -> memref<16xi32, #tpu.memory_space<vmem>>
        %dma_start3A_329 = arith.constant 0 : i32
        %dma_start3A_330 = arith.constant 0 : i32
        %dma_start3A_331 = tpu.memref_slice %arg2[%dma_start3A_329, %dma_start3A_330] : memref<4096x1024xf32, #tpu.memory_space<hbm>> -> memref<4096x1024xf32, #tpu.memory_space<hbm>>
        %dma_start3A_332 = tpu.memref_slice %arg7[%dma_start3A_323] : memref<4x!tpu.dma_semaphore, #tpu.memory_space<semaphore_mem>> -> memref<1x!tpu.dma_semaphore, #tpu.memory_space<semaphore_mem>>
        %dma_start3A_333 = tpu.memref_squeeze %dma_start3A_332 : memref<1x!tpu.dma_semaphore, #tpu.memory_space<semaphore_mem>> -> memref<!tpu.dma_semaphore, #tpu.memory_space<semaphore_mem>>
        tpu.enqueue_indirect_dma source(%dma_start3A_331 : memref<4096x1024xf32, #tpu.memory_space<hbm>>) target(%dma_start3A_327 : memref<16x1024xf32, #tpu.memory_space<vmem>>) offsets(%dma_start3A_328 : memref<16xi32, #tpu.memory_space<vmem>>) semaphore(%dma_start3A_333 : memref<!tpu.dma_semaphore, #tpu.memory_space<semaphore_mem>>)
      } else {
      }
      %add3A_173 = arith.constant 1 : i32
      %add3A_174 = arith.addi %add3A_133, %add3A_173 : i32
      %mul3A_175 = arith.constant 16 : i32
      %mul3A_176 = arith.muli %add3A_174, %mul3A_175 : i32
      %dma_wait3A_177 = arith.constant 1 : i32
      %dma_wait3A_178 = arith.constant 1 : i32
      %dma_wait3A_179 = arith.constant 0 : i32
      %dma_wait3A_180 = arith.constant 0 : i32
      %dma_wait3A_181 = tpu.memref_slice %arg6[%dma_wait3A_177, %dma_wait3A_179, %dma_wait3A_180] : memref<4x16x1024xf32, #tpu.memory_space<vmem>> -> memref<1x16x1024xf32, #tpu.memory_space<vmem>>
      %dma_wait3A_182 = tpu.memref_squeeze %dma_wait3A_181 : memref<1x16x1024xf32, #tpu.memory_space<vmem>> -> memref<16x1024xf32, #tpu.memory_space<vmem>>
      %dma_wait3A_183 = tpu.memref_slice %arg5[%mul3A_176] : memref<512xi32, #tpu.memory_space<vmem>> -> memref<16xi32, #tpu.memory_space<vmem>>
      %dma_wait3A_184 = arith.constant 0 : i32
      %dma_wait3A_185 = arith.constant 0 : i32
      %dma_wait3A_186 = tpu.memref_slice %arg2[%dma_wait3A_184, %dma_wait3A_185] : memref<4096x1024xf32, #tpu.memory_space<hbm>> -> memref<4096x1024xf32, #tpu.memory_space<hbm>>
      %dma_wait3A_187 = tpu.memref_slice %arg7[%dma_wait3A_178] : memref<4x!tpu.dma_semaphore, #tpu.memory_space<semaphore_mem>> -> memref<1x!tpu.dma_semaphore, #tpu.memory_space<semaphore_mem>>
      %dma_wait3A_188 = tpu.memref_squeeze %dma_wait3A_187 : memref<1x!tpu.dma_semaphore, #tpu.memory_space<semaphore_mem>> -> memref<!tpu.dma_semaphore, #tpu.memory_space<semaphore_mem>>
      tpu.wait_indirect_dma semaphore(%dma_wait3A_188 : memref<!tpu.dma_semaphore, #tpu.memory_space<semaphore_mem>>) src(%dma_wait3A_186 : memref<4096x1024xf32, #tpu.memory_space<hbm>>) dst(%dma_wait3A_182 : memref<16x1024xf32, #tpu.memory_space<vmem>>)
      %mul3A_189 = arith.constant 16 : i32
      %mul3A_190 = arith.muli %add3A_174, %mul3A_189 : i32
      %add3A_191 = arith.addi %mul3A_2, %mul3A_190 : i32
      %dma_start3A_192 = arith.constant 1 : i32
      %dma_start3A_193 = arith.constant 1 : i32
      %dma_start3A_194 = arith.constant 0 : i32
      %dma_start3A_195 = arith.constant 0 : i32
      %dma_start3A_196 = tpu.memref_slice %arg6[%dma_start3A_192, %dma_start3A_194, %dma_start3A_195] : memref<4x16x1024xf32, #tpu.memory_space<vmem>> -> memref<1x16x1024xf32, #tpu.memory_space<vmem>>
      %dma_start3A_197 = tpu.memref_squeeze %dma_start3A_196 : memref<1x16x1024xf32, #tpu.memory_space<vmem>> -> memref<16x1024xf32, #tpu.memory_space<vmem>>
      %dma_start3A_198 = arith.constant 0 : i32
      %dma_start3A_199 = tpu.memref_slice %arg4[%add3A_191, %dma_start3A_198] : memref<16384x1024xf32, #tpu.memory_space<hbm>> -> memref<16x1024xf32, #tpu.memory_space<hbm>>
      %dma_start3A_200 = tpu.memref_slice %arg8[%dma_start3A_193] : memref<4x!tpu.dma_semaphore, #tpu.memory_space<semaphore_mem>> -> memref<1x!tpu.dma_semaphore, #tpu.memory_space<semaphore_mem>>
      %dma_start3A_201 = tpu.memref_squeeze %dma_start3A_200 : memref<1x!tpu.dma_semaphore, #tpu.memory_space<semaphore_mem>> -> memref<!tpu.dma_semaphore, #tpu.memory_space<semaphore_mem>>
      %dma_start3A_202 = arith.constant 0 : i32
      %dma_start3A_203 = tpu.memref_slice %arg4[%add3A_191, %dma_start3A_202] : memref<16384x1024xf32, #tpu.memory_space<hbm>> -> memref<16x1024xf32, #tpu.memory_space<hbm>>
      %dma_start3A_204 = arith.constant 0 : i32
      %dma_start3A_205 = arith.constant 0 : i32
      %dma_start3A_206 = tpu.memref_slice %arg6[%dma_start3A_192, %dma_start3A_204, %dma_start3A_205] : memref<4x16x1024xf32, #tpu.memory_space<vmem>> -> memref<1x16x1024xf32, #tpu.memory_space<vmem>>
      %dma_start3A_207 = tpu.memref_squeeze %dma_start3A_206 : memref<1x16x1024xf32, #tpu.memory_space<vmem>> -> memref<16x1024xf32, #tpu.memory_space<vmem>>
      tpu.enqueue_dma source(%dma_start3A_207 : memref<16x1024xf32, #tpu.memory_space<vmem>>) target(%dma_start3A_203 : memref<16x1024xf32, #tpu.memory_space<hbm>>) target_semaphore(%dma_start3A_201 : memref<!tpu.dma_semaphore, #tpu.memory_space<semaphore_mem>>)
      %add3A_208 = arith.constant 4 : i32
      %add3A_209 = arith.addi %add3A_174, %add3A_208 : i32
      %lt3A_210 = arith.constant 32 : i32
      %lt3A_211 = arith.cmpi slt, %add3A_209, %lt3A_210 : i32
      %convert_element_type3A_212 = arith.extui %lt3A_211 : i1 to i32
      %cond3A_213 = arith.constant 0 : i32
      %cond3A_214 = arith.cmpi ne, %convert_element_type3A_212, %cond3A_213 : i32
      scf.if %cond3A_214 {
        %mul3A_299 = arith.constant 16 : i32
        %mul3A_300 = arith.muli %add3A_174, %mul3A_299 : i32
        %add3A_301 = arith.addi %mul3A_2, %mul3A_300 : i32
        %dma_wait3A_302 = arith.constant 1 : i32
        %dma_wait3A_303 = arith.constant 1 : i32
        %dma_wait3A_304 = arith.constant 0 : i32
        %dma_wait3A_305 = arith.constant 0 : i32
        %dma_wait3A_306 = tpu.memref_slice %arg6[%dma_wait3A_302, %dma_wait3A_304, %dma_wait3A_305] : memref<4x16x1024xf32, #tpu.memory_space<vmem>> -> memref<1x16x1024xf32, #tpu.memory_space<vmem>>
        %dma_wait3A_307 = tpu.memref_squeeze %dma_wait3A_306 : memref<1x16x1024xf32, #tpu.memory_space<vmem>> -> memref<16x1024xf32, #tpu.memory_space<vmem>>
        %dma_wait3A_308 = arith.constant 0 : i32
        %dma_wait3A_309 = tpu.memref_slice %arg4[%add3A_301, %dma_wait3A_308] : memref<16384x1024xf32, #tpu.memory_space<hbm>> -> memref<16x1024xf32, #tpu.memory_space<hbm>>
        %dma_wait3A_310 = tpu.memref_slice %arg8[%dma_wait3A_303] : memref<4x!tpu.dma_semaphore, #tpu.memory_space<semaphore_mem>> -> memref<1x!tpu.dma_semaphore, #tpu.memory_space<semaphore_mem>>
        %dma_wait3A_311 = tpu.memref_squeeze %dma_wait3A_310 : memref<1x!tpu.dma_semaphore, #tpu.memory_space<semaphore_mem>> -> memref<!tpu.dma_semaphore, #tpu.memory_space<semaphore_mem>>
        %dma_wait3A_312 = arith.constant 0 : i32
        %dma_wait3A_313 = tpu.memref_slice %arg4[%add3A_301, %dma_wait3A_312] : memref<16384x1024xf32, #tpu.memory_space<hbm>> -> memref<16x1024xf32, #tpu.memory_space<hbm>>
        %dma_wait3A_314 = arith.constant 0 : i32
        %dma_wait3A_315 = arith.constant 0 : i32
        %dma_wait3A_316 = tpu.memref_slice %arg6[%dma_wait3A_302, %dma_wait3A_314, %dma_wait3A_315] : memref<4x16x1024xf32, #tpu.memory_space<vmem>> -> memref<1x16x1024xf32, #tpu.memory_space<vmem>>
        %dma_wait3A_317 = tpu.memref_squeeze %dma_wait3A_316 : memref<1x16x1024xf32, #tpu.memory_space<vmem>> -> memref<16x1024xf32, #tpu.memory_space<vmem>>
        tpu.wait_dma2 semaphore(%dma_wait3A_311 : memref<!tpu.dma_semaphore, #tpu.memory_space<semaphore_mem>>) src(%dma_wait3A_317 : memref<16x1024xf32, #tpu.memory_space<vmem>>) dst(%dma_wait3A_313 : memref<16x1024xf32, #tpu.memory_space<hbm>>)
        %add3A_318 = arith.constant 4 : i32
        %add3A_319 = arith.addi %add3A_174, %add3A_318 : i32
        %mul3A_320 = arith.constant 16 : i32
        %mul3A_321 = arith.muli %add3A_319, %mul3A_320 : i32
        %dma_start3A_322 = arith.constant 1 : i32
        %dma_start3A_323 = arith.constant 1 : i32
        %dma_start3A_324 = arith.constant 0 : i32
        %dma_start3A_325 = arith.constant 0 : i32
        %dma_start3A_326 = tpu.memref_slice %arg6[%dma_start3A_322, %dma_start3A_324, %dma_start3A_325] : memref<4x16x1024xf32, #tpu.memory_space<vmem>> -> memref<1x16x1024xf32, #tpu.memory_space<vmem>>
        %dma_start3A_327 = tpu.memref_squeeze %dma_start3A_326 : memref<1x16x1024xf32, #tpu.memory_space<vmem>> -> memref<16x1024xf32, #tpu.memory_space<vmem>>
        %dma_start3A_328 = tpu.memref_slice %arg5[%mul3A_321] : memref<512xi32, #tpu.memory_space<vmem>> -> memref<16xi32, #tpu.memory_space<vmem>>
        %dma_start3A_329 = arith.constant 0 : i32
        %dma_start3A_330 = arith.constant 0 : i32
        %dma_start3A_331 = tpu.memref_slice %arg2[%dma_start3A_329, %dma_start3A_330] : memref<4096x1024xf32, #tpu.memory_space<hbm>> -> memref<4096x1024xf32, #tpu.memory_space<hbm>>
        %dma_start3A_332 = tpu.memref_slice %arg7[%dma_start3A_323] : memref<4x!tpu.dma_semaphore, #tpu.memory_space<semaphore_mem>> -> memref<1x!tpu.dma_semaphore, #tpu.memory_space<semaphore_mem>>
        %dma_start3A_333 = tpu.memref_squeeze %dma_start3A_332 : memref<1x!tpu.dma_semaphore, #tpu.memory_space<semaphore_mem>> -> memref<!tpu.dma_semaphore, #tpu.memory_space<semaphore_mem>>
        tpu.enqueue_indirect_dma source(%dma_start3A_331 : memref<4096x1024xf32, #tpu.memory_space<hbm>>) target(%dma_start3A_327 : memref<16x1024xf32, #tpu.memory_space<vmem>>) offsets(%dma_start3A_328 : memref<16xi32, #tpu.memory_space<vmem>>) semaphore(%dma_start3A_333 : memref<!tpu.dma_semaphore, #tpu.memory_space<semaphore_mem>>)
      } else {
      }
      %add3A_215 = arith.constant 2 : i32
      %add3A_216 = arith.addi %add3A_133, %add3A_215 : i32
      %mul3A_217 = arith.constant 16 : i32
      %mul3A_218 = arith.muli %add3A_216, %mul3A_217 : i32
      %dma_wait3A_219 = arith.constant 2 : i32
      %dma_wait3A_220 = arith.constant 2 : i32
      %dma_wait3A_221 = arith.constant 0 : i32
      %dma_wait3A_222 = arith.constant 0 : i32
      %dma_wait3A_223 = tpu.memref_slice %arg6[%dma_wait3A_219, %dma_wait3A_221, %dma_wait3A_222] : memref<4x16x1024xf32, #tpu.memory_space<vmem>> -> memref<1x16x1024xf32, #tpu.memory_space<vmem>>
      %dma_wait3A_224 = tpu.memref_squeeze %dma_wait3A_223 : memref<1x16x1024xf32, #tpu.memory_space<vmem>> -> memref<16x1024xf32, #tpu.memory_space<vmem>>
      %dma_wait3A_225 = tpu.memref_slice %arg5[%mul3A_218] : memref<512xi32, #tpu.memory_space<vmem>> -> memref<16xi32, #tpu.memory_space<vmem>>
      %dma_wait3A_226 = arith.constant 0 : i32
      %dma_wait3A_227 = arith.constant 0 : i32
      %dma_wait3A_228 = tpu.memref_slice %arg2[%dma_wait3A_226, %dma_wait3A_227] : memref<4096x1024xf32, #tpu.memory_space<hbm>> -> memref<4096x1024xf32, #tpu.memory_space<hbm>>
      %dma_wait3A_229 = tpu.memref_slice %arg7[%dma_wait3A_220] : memref<4x!tpu.dma_semaphore, #tpu.memory_space<semaphore_mem>> -> memref<1x!tpu.dma_semaphore, #tpu.memory_space<semaphore_mem>>
      %dma_wait3A_230 = tpu.memref_squeeze %dma_wait3A_229 : memref<1x!tpu.dma_semaphore, #tpu.memory_space<semaphore_mem>> -> memref<!tpu.dma_semaphore, #tpu.memory_space<semaphore_mem>>
      tpu.wait_indirect_dma semaphore(%dma_wait3A_230 : memref<!tpu.dma_semaphore, #tpu.memory_space<semaphore_mem>>) src(%dma_wait3A_228 : memref<4096x1024xf32, #tpu.memory_space<hbm>>) dst(%dma_wait3A_224 : memref<16x1024xf32, #tpu.memory_space<vmem>>)
      %mul3A_231 = arith.constant 16 : i32
      %mul3A_232 = arith.muli %add3A_216, %mul3A_231 : i32
      %add3A_233 = arith.addi %mul3A_2, %mul3A_232 : i32
      %dma_start3A_234 = arith.constant 2 : i32
      %dma_start3A_235 = arith.constant 2 : i32
      %dma_start3A_236 = arith.constant 0 : i32
      %dma_start3A_237 = arith.constant 0 : i32
      %dma_start3A_238 = tpu.memref_slice %arg6[%dma_start3A_234, %dma_start3A_236, %dma_start3A_237] : memref<4x16x1024xf32, #tpu.memory_space<vmem>> -> memref<1x16x1024xf32, #tpu.memory_space<vmem>>
      %dma_start3A_239 = tpu.memref_squeeze %dma_start3A_238 : memref<1x16x1024xf32, #tpu.memory_space<vmem>> -> memref<16x1024xf32, #tpu.memory_space<vmem>>
      %dma_start3A_240 = arith.constant 0 : i32
      %dma_start3A_241 = tpu.memref_slice %arg4[%add3A_233, %dma_start3A_240] : memref<16384x1024xf32, #tpu.memory_space<hbm>> -> memref<16x1024xf32, #tpu.memory_space<hbm>>
      %dma_start3A_242 = tpu.memref_slice %arg8[%dma_start3A_235] : memref<4x!tpu.dma_semaphore, #tpu.memory_space<semaphore_mem>> -> memref<1x!tpu.dma_semaphore, #tpu.memory_space<semaphore_mem>>
      %dma_start3A_243 = tpu.memref_squeeze %dma_start3A_242 : memref<1x!tpu.dma_semaphore, #tpu.memory_space<semaphore_mem>> -> memref<!tpu.dma_semaphore, #tpu.memory_space<semaphore_mem>>
      %dma_start3A_244 = arith.constant 0 : i32
      %dma_start3A_245 = tpu.memref_slice %arg4[%add3A_233, %dma_start3A_244] : memref<16384x1024xf32, #tpu.memory_space<hbm>> -> memref<16x1024xf32, #tpu.memory_space<hbm>>
      %dma_start3A_246 = arith.constant 0 : i32
      %dma_start3A_247 = arith.constant 0 : i32
      %dma_start3A_248 = tpu.memref_slice %arg6[%dma_start3A_234, %dma_start3A_246, %dma_start3A_247] : memref<4x16x1024xf32, #tpu.memory_space<vmem>> -> memref<1x16x1024xf32, #tpu.memory_space<vmem>>
      %dma_start3A_249 = tpu.memref_squeeze %dma_start3A_248 : memref<1x16x1024xf32, #tpu.memory_space<vmem>> -> memref<16x1024xf32, #tpu.memory_space<vmem>>
      tpu.enqueue_dma source(%dma_start3A_249 : memref<16x1024xf32, #tpu.memory_space<vmem>>) target(%dma_start3A_245 : memref<16x1024xf32, #tpu.memory_space<hbm>>) target_semaphore(%dma_start3A_243 : memref<!tpu.dma_semaphore, #tpu.memory_space<semaphore_mem>>)
      %add3A_250 = arith.constant 4 : i32
      %add3A_251 = arith.addi %add3A_216, %add3A_250 : i32
      %lt3A_252 = arith.constant 32 : i32
      %lt3A_253 = arith.cmpi slt, %add3A_251, %lt3A_252 : i32
      %convert_element_type3A_254 = arith.extui %lt3A_253 : i1 to i32
      %cond3A_255 = arith.constant 0 : i32
      %cond3A_256 = arith.cmpi ne, %convert_element_type3A_254, %cond3A_255 : i32
      scf.if %cond3A_256 {
        %mul3A_299 = arith.constant 16 : i32
        %mul3A_300 = arith.muli %add3A_216, %mul3A_299 : i32
        %add3A_301 = arith.addi %mul3A_2, %mul3A_300 : i32
        %dma_wait3A_302 = arith.constant 2 : i32
        %dma_wait3A_303 = arith.constant 2 : i32
        %dma_wait3A_304 = arith.constant 0 : i32
        %dma_wait3A_305 = arith.constant 0 : i32
        %dma_wait3A_306 = tpu.memref_slice %arg6[%dma_wait3A_302, %dma_wait3A_304, %dma_wait3A_305] : memref<4x16x1024xf32, #tpu.memory_space<vmem>> -> memref<1x16x1024xf32, #tpu.memory_space<vmem>>
        %dma_wait3A_307 = tpu.memref_squeeze %dma_wait3A_306 : memref<1x16x1024xf32, #tpu.memory_space<vmem>> -> memref<16x1024xf32, #tpu.memory_space<vmem>>
        %dma_wait3A_308 = arith.constant 0 : i32
        %dma_wait3A_309 = tpu.memref_slice %arg4[%add3A_301, %dma_wait3A_308] : memref<16384x1024xf32, #tpu.memory_space<hbm>> -> memref<16x1024xf32, #tpu.memory_space<hbm>>
        %dma_wait3A_310 = tpu.memref_slice %arg8[%dma_wait3A_303] : memref<4x!tpu.dma_semaphore, #tpu.memory_space<semaphore_mem>> -> memref<1x!tpu.dma_semaphore, #tpu.memory_space<semaphore_mem>>
        %dma_wait3A_311 = tpu.memref_squeeze %dma_wait3A_310 : memref<1x!tpu.dma_semaphore, #tpu.memory_space<semaphore_mem>> -> memref<!tpu.dma_semaphore, #tpu.memory_space<semaphore_mem>>
        %dma_wait3A_312 = arith.constant 0 : i32
        %dma_wait3A_313 = tpu.memref_slice %arg4[%add3A_301, %dma_wait3A_312] : memref<16384x1024xf32, #tpu.memory_space<hbm>> -> memref<16x1024xf32, #tpu.memory_space<hbm>>
        %dma_wait3A_314 = arith.constant 0 : i32
        %dma_wait3A_315 = arith.constant 0 : i32
        %dma_wait3A_316 = tpu.memref_slice %arg6[%dma_wait3A_302, %dma_wait3A_314, %dma_wait3A_315] : memref<4x16x1024xf32, #tpu.memory_space<vmem>> -> memref<1x16x1024xf32, #tpu.memory_space<vmem>>
        %dma_wait3A_317 = tpu.memref_squeeze %dma_wait3A_316 : memref<1x16x1024xf32, #tpu.memory_space<vmem>> -> memref<16x1024xf32, #tpu.memory_space<vmem>>
        tpu.wait_dma2 semaphore(%dma_wait3A_311 : memref<!tpu.dma_semaphore, #tpu.memory_space<semaphore_mem>>) src(%dma_wait3A_317 : memref<16x1024xf32, #tpu.memory_space<vmem>>) dst(%dma_wait3A_313 : memref<16x1024xf32, #tpu.memory_space<hbm>>)
        %add3A_318 = arith.constant 4 : i32
        %add3A_319 = arith.addi %add3A_216, %add3A_318 : i32
        %mul3A_320 = arith.constant 16 : i32
        %mul3A_321 = arith.muli %add3A_319, %mul3A_320 : i32
        %dma_start3A_322 = arith.constant 2 : i32
        %dma_start3A_323 = arith.constant 2 : i32
        %dma_start3A_324 = arith.constant 0 : i32
        %dma_start3A_325 = arith.constant 0 : i32
        %dma_start3A_326 = tpu.memref_slice %arg6[%dma_start3A_322, %dma_start3A_324, %dma_start3A_325] : memref<4x16x1024xf32, #tpu.memory_space<vmem>> -> memref<1x16x1024xf32, #tpu.memory_space<vmem>>
        %dma_start3A_327 = tpu.memref_squeeze %dma_start3A_326 : memref<1x16x1024xf32, #tpu.memory_space<vmem>> -> memref<16x1024xf32, #tpu.memory_space<vmem>>
        %dma_start3A_328 = tpu.memref_slice %arg5[%mul3A_321] : memref<512xi32, #tpu.memory_space<vmem>> -> memref<16xi32, #tpu.memory_space<vmem>>
        %dma_start3A_329 = arith.constant 0 : i32
        %dma_start3A_330 = arith.constant 0 : i32
        %dma_start3A_331 = tpu.memref_slice %arg2[%dma_start3A_329, %dma_start3A_330] : memref<4096x1024xf32, #tpu.memory_space<hbm>> -> memref<4096x1024xf32, #tpu.memory_space<hbm>>
        %dma_start3A_332 = tpu.memref_slice %arg7[%dma_start3A_323] : memref<4x!tpu.dma_semaphore, #tpu.memory_space<semaphore_mem>> -> memref<1x!tpu.dma_semaphore, #tpu.memory_space<semaphore_mem>>
        %dma_start3A_333 = tpu.memref_squeeze %dma_start3A_332 : memref<1x!tpu.dma_semaphore, #tpu.memory_space<semaphore_mem>> -> memref<!tpu.dma_semaphore, #tpu.memory_space<semaphore_mem>>
        tpu.enqueue_indirect_dma source(%dma_start3A_331 : memref<4096x1024xf32, #tpu.memory_space<hbm>>) target(%dma_start3A_327 : memref<16x1024xf32, #tpu.memory_space<vmem>>) offsets(%dma_start3A_328 : memref<16xi32, #tpu.memory_space<vmem>>) semaphore(%dma_start3A_333 : memref<!tpu.dma_semaphore, #tpu.memory_space<semaphore_mem>>)
      } else {
      }
      %add3A_257 = arith.constant 3 : i32
      %add3A_258 = arith.addi %add3A_133, %add3A_257 : i32
      %mul3A_259 = arith.constant 16 : i32
      %mul3A_260 = arith.muli %add3A_258, %mul3A_259 : i32
      %dma_wait3A_261 = arith.constant 3 : i32
      %dma_wait3A_262 = arith.constant 3 : i32
      %dma_wait3A_263 = arith.constant 0 : i32
      %dma_wait3A_264 = arith.constant 0 : i32
      %dma_wait3A_265 = tpu.memref_slice %arg6[%dma_wait3A_261, %dma_wait3A_263, %dma_wait3A_264] : memref<4x16x1024xf32, #tpu.memory_space<vmem>> -> memref<1x16x1024xf32, #tpu.memory_space<vmem>>
      %dma_wait3A_266 = tpu.memref_squeeze %dma_wait3A_265 : memref<1x16x1024xf32, #tpu.memory_space<vmem>> -> memref<16x1024xf32, #tpu.memory_space<vmem>>
      %dma_wait3A_267 = tpu.memref_slice %arg5[%mul3A_260] : memref<512xi32, #tpu.memory_space<vmem>> -> memref<16xi32, #tpu.memory_space<vmem>>
      %dma_wait3A_268 = arith.constant 0 : i32
      %dma_wait3A_269 = arith.constant 0 : i32
      %dma_wait3A_270 = tpu.memref_slice %arg2[%dma_wait3A_268, %dma_wait3A_269] : memref<4096x1024xf32, #tpu.memory_space<hbm>> -> memref<4096x1024xf32, #tpu.memory_space<hbm>>
      %dma_wait3A_271 = tpu.memref_slice %arg7[%dma_wait3A_262] : memref<4x!tpu.dma_semaphore, #tpu.memory_space<semaphore_mem>> -> memref<1x!tpu.dma_semaphore, #tpu.memory_space<semaphore_mem>>
      %dma_wait3A_272 = tpu.memref_squeeze %dma_wait3A_271 : memref<1x!tpu.dma_semaphore, #tpu.memory_space<semaphore_mem>> -> memref<!tpu.dma_semaphore, #tpu.memory_space<semaphore_mem>>
      tpu.wait_indirect_dma semaphore(%dma_wait3A_272 : memref<!tpu.dma_semaphore, #tpu.memory_space<semaphore_mem>>) src(%dma_wait3A_270 : memref<4096x1024xf32, #tpu.memory_space<hbm>>) dst(%dma_wait3A_266 : memref<16x1024xf32, #tpu.memory_space<vmem>>)
      %mul3A_273 = arith.constant 16 : i32
      %mul3A_274 = arith.muli %add3A_258, %mul3A_273 : i32
      %add3A_275 = arith.addi %mul3A_2, %mul3A_274 : i32
      %dma_start3A_276 = arith.constant 3 : i32
      %dma_start3A_277 = arith.constant 3 : i32
      %dma_start3A_278 = arith.constant 0 : i32
      %dma_start3A_279 = arith.constant 0 : i32
      %dma_start3A_280 = tpu.memref_slice %arg6[%dma_start3A_276, %dma_start3A_278, %dma_start3A_279] : memref<4x16x1024xf32, #tpu.memory_space<vmem>> -> memref<1x16x1024xf32, #tpu.memory_space<vmem>>
      %dma_start3A_281 = tpu.memref_squeeze %dma_start3A_280 : memref<1x16x1024xf32, #tpu.memory_space<vmem>> -> memref<16x1024xf32, #tpu.memory_space<vmem>>
      %dma_start3A_282 = arith.constant 0 : i32
      %dma_start3A_283 = tpu.memref_slice %arg4[%add3A_275, %dma_start3A_282] : memref<16384x1024xf32, #tpu.memory_space<hbm>> -> memref<16x1024xf32, #tpu.memory_space<hbm>>
      %dma_start3A_284 = tpu.memref_slice %arg8[%dma_start3A_277] : memref<4x!tpu.dma_semaphore, #tpu.memory_space<semaphore_mem>> -> memref<1x!tpu.dma_semaphore, #tpu.memory_space<semaphore_mem>>
      %dma_start3A_285 = tpu.memref_squeeze %dma_start3A_284 : memref<1x!tpu.dma_semaphore, #tpu.memory_space<semaphore_mem>> -> memref<!tpu.dma_semaphore, #tpu.memory_space<semaphore_mem>>
      %dma_start3A_286 = arith.constant 0 : i32
      %dma_start3A_287 = tpu.memref_slice %arg4[%add3A_275, %dma_start3A_286] : memref<16384x1024xf32, #tpu.memory_space<hbm>> -> memref<16x1024xf32, #tpu.memory_space<hbm>>
      %dma_start3A_288 = arith.constant 0 : i32
      %dma_start3A_289 = arith.constant 0 : i32
      %dma_start3A_290 = tpu.memref_slice %arg6[%dma_start3A_276, %dma_start3A_288, %dma_start3A_289] : memref<4x16x1024xf32, #tpu.memory_space<vmem>> -> memref<1x16x1024xf32, #tpu.memory_space<vmem>>
      %dma_start3A_291 = tpu.memref_squeeze %dma_start3A_290 : memref<1x16x1024xf32, #tpu.memory_space<vmem>> -> memref<16x1024xf32, #tpu.memory_space<vmem>>
      tpu.enqueue_dma source(%dma_start3A_291 : memref<16x1024xf32, #tpu.memory_space<vmem>>) target(%dma_start3A_287 : memref<16x1024xf32, #tpu.memory_space<hbm>>) target_semaphore(%dma_start3A_285 : memref<!tpu.dma_semaphore, #tpu.memory_space<semaphore_mem>>)
      %add3A_292 = arith.constant 4 : i32
      %add3A_293 = arith.addi %add3A_258, %add3A_292 : i32
      %lt3A_294 = arith.constant 32 : i32
      %lt3A_295 = arith.cmpi slt, %add3A_293, %lt3A_294 : i32
      %convert_element_type3A_296 = arith.extui %lt3A_295 : i1 to i32
      %cond3A_297 = arith.constant 0 : i32
      %cond3A_298 = arith.cmpi ne, %convert_element_type3A_296, %cond3A_297 : i32
      scf.if %cond3A_298 {
        %mul3A_299 = arith.constant 16 : i32
        %mul3A_300 = arith.muli %add3A_258, %mul3A_299 : i32
        %add3A_301 = arith.addi %mul3A_2, %mul3A_300 : i32
        %dma_wait3A_302 = arith.constant 3 : i32
        %dma_wait3A_303 = arith.constant 3 : i32
        %dma_wait3A_304 = arith.constant 0 : i32
        %dma_wait3A_305 = arith.constant 0 : i32
        %dma_wait3A_306 = tpu.memref_slice %arg6[%dma_wait3A_302, %dma_wait3A_304, %dma_wait3A_305] : memref<4x16x1024xf32, #tpu.memory_space<vmem>> -> memref<1x16x1024xf32, #tpu.memory_space<vmem>>
        %dma_wait3A_307 = tpu.memref_squeeze %dma_wait3A_306 : memref<1x16x1024xf32, #tpu.memory_space<vmem>> -> memref<16x1024xf32, #tpu.memory_space<vmem>>
        %dma_wait3A_308 = arith.constant 0 : i32
        %dma_wait3A_309 = tpu.memref_slice %arg4[%add3A_301, %dma_wait3A_308] : memref<16384x1024xf32, #tpu.memory_space<hbm>> -> memref<16x1024xf32, #tpu.memory_space<hbm>>
        %dma_wait3A_310 = tpu.memref_slice %arg8[%dma_wait3A_303] : memref<4x!tpu.dma_semaphore, #tpu.memory_space<semaphore_mem>> -> memref<1x!tpu.dma_semaphore, #tpu.memory_space<semaphore_mem>>
        %dma_wait3A_311 = tpu.memref_squeeze %dma_wait3A_310 : memref<1x!tpu.dma_semaphore, #tpu.memory_space<semaphore_mem>> -> memref<!tpu.dma_semaphore, #tpu.memory_space<semaphore_mem>>
        %dma_wait3A_312 = arith.constant 0 : i32
        %dma_wait3A_313 = tpu.memref_slice %arg4[%add3A_301, %dma_wait3A_312] : memref<16384x1024xf32, #tpu.memory_space<hbm>> -> memref<16x1024xf32, #tpu.memory_space<hbm>>
        %dma_wait3A_314 = arith.constant 0 : i32
        %dma_wait3A_315 = arith.constant 0 : i32
        %dma_wait3A_316 = tpu.memref_slice %arg6[%dma_wait3A_302, %dma_wait3A_314, %dma_wait3A_315] : memref<4x16x1024xf32, #tpu.memory_space<vmem>> -> memref<1x16x1024xf32, #tpu.memory_space<vmem>>
        %dma_wait3A_317 = tpu.memref_squeeze %dma_wait3A_316 : memref<1x16x1024xf32, #tpu.memory_space<vmem>> -> memref<16x1024xf32, #tpu.memory_space<vmem>>
        tpu.wait_dma2 semaphore(%dma_wait3A_311 : memref<!tpu.dma_semaphore, #tpu.memory_space<semaphore_mem>>) src(%dma_wait3A_317 : memref<16x1024xf32, #tpu.memory_space<vmem>>) dst(%dma_wait3A_313 : memref<16x1024xf32, #tpu.memory_space<hbm>>)
        %add3A_318 = arith.constant 4 : i32
        %add3A_319 = arith.addi %add3A_258, %add3A_318 : i32
        %mul3A_320 = arith.constant 16 : i32
        %mul3A_321 = arith.muli %add3A_319, %mul3A_320 : i32
        %dma_start3A_322 = arith.constant 3 : i32
        %dma_start3A_323 = arith.constant 3 : i32
        %dma_start3A_324 = arith.constant 0 : i32
        %dma_start3A_325 = arith.constant 0 : i32
        %dma_start3A_326 = tpu.memref_slice %arg6[%dma_start3A_322, %dma_start3A_324, %dma_start3A_325] : memref<4x16x1024xf32, #tpu.memory_space<vmem>> -> memref<1x16x1024xf32, #tpu.memory_space<vmem>>
        %dma_start3A_327 = tpu.memref_squeeze %dma_start3A_326 : memref<1x16x1024xf32, #tpu.memory_space<vmem>> -> memref<16x1024xf32, #tpu.memory_space<vmem>>
        %dma_start3A_328 = tpu.memref_slice %arg5[%mul3A_321] : memref<512xi32, #tpu.memory_space<vmem>> -> memref<16xi32, #tpu.memory_space<vmem>>
        %dma_start3A_329 = arith.constant 0 : i32
        %dma_start3A_330 = arith.constant 0 : i32
        %dma_start3A_331 = tpu.memref_slice %arg2[%dma_start3A_329, %dma_start3A_330] : memref<4096x1024xf32, #tpu.memory_space<hbm>> -> memref<4096x1024xf32, #tpu.memory_space<hbm>>
        %dma_start3A_332 = tpu.memref_slice %arg7[%dma_start3A_323] : memref<4x!tpu.dma_semaphore, #tpu.memory_space<semaphore_mem>> -> memref<1x!tpu.dma_semaphore, #tpu.memory_space<semaphore_mem>>
        %dma_start3A_333 = tpu.memref_squeeze %dma_start3A_332 : memref<1x!tpu.dma_semaphore, #tpu.memory_space<semaphore_mem>> -> memref<!tpu.dma_semaphore, #tpu.memory_space<semaphore_mem>>
        tpu.enqueue_indirect_dma source(%dma_start3A_331 : memref<4096x1024xf32, #tpu.memory_space<hbm>>) target(%dma_start3A_327 : memref<16x1024xf32, #tpu.memory_space<vmem>>) offsets(%dma_start3A_328 : memref<16xi32, #tpu.memory_space<vmem>>) semaphore(%dma_start3A_333 : memref<!tpu.dma_semaphore, #tpu.memory_space<semaphore_mem>>)
      } else {
      }
    }
    %scan3A_57 = arith.constant 8 : i32
    %add3A_58 = arith.constant 448 : i32
    %add3A_59 = arith.addi %mul3A_2, %add3A_58 : i32
    %dma_wait3A = arith.constant 0 : i32
    %dma_wait3A_60 = arith.constant 0 : i32
    %dma_wait3A_61 = arith.constant 0 : i32
    %dma_wait3A_62 = arith.constant 0 : i32
    %dma_wait3A_63 = tpu.memref_slice %arg6[%dma_wait3A, %dma_wait3A_61, %dma_wait3A_62] : memref<4x16x1024xf32, #tpu.memory_space<vmem>> -> memref<1x16x1024xf32, #tpu.memory_space<vmem>>
    %dma_wait3A_64 = tpu.memref_squeeze %dma_wait3A_63 : memref<1x16x1024xf32, #tpu.memory_space<vmem>> -> memref<16x1024xf32, #tpu.memory_space<vmem>>
    %dma_wait3A_65 = arith.constant 0 : i32
    %dma_wait3A_66 = tpu.memref_slice %arg4[%add3A_59, %dma_wait3A_65] : memref<16384x1024xf32, #tpu.memory_space<hbm>> -> memref<16x1024xf32, #tpu.memory_space<hbm>>
    %dma_wait3A_67 = tpu.memref_slice %arg8[%dma_wait3A_60] : memref<4x!tpu.dma_semaphore, #tpu.memory_space<semaphore_mem>> -> memref<1x!tpu.dma_semaphore, #tpu.memory_space<semaphore_mem>>
    %dma_wait3A_68 = tpu.memref_squeeze %dma_wait3A_67 : memref<1x!tpu.dma_semaphore, #tpu.memory_space<semaphore_mem>> -> memref<!tpu.dma_semaphore, #tpu.memory_space<semaphore_mem>>
    %dma_wait3A_69 = arith.constant 0 : i32
    %dma_wait3A_70 = tpu.memref_slice %arg4[%add3A_59, %dma_wait3A_69] : memref<16384x1024xf32, #tpu.memory_space<hbm>> -> memref<16x1024xf32, #tpu.memory_space<hbm>>
    %dma_wait3A_71 = arith.constant 0 : i32
    %dma_wait3A_72 = arith.constant 0 : i32
    %dma_wait3A_73 = tpu.memref_slice %arg6[%dma_wait3A, %dma_wait3A_71, %dma_wait3A_72] : memref<4x16x1024xf32, #tpu.memory_space<vmem>> -> memref<1x16x1024xf32, #tpu.memory_space<vmem>>
    %dma_wait3A_74 = tpu.memref_squeeze %dma_wait3A_73 : memref<1x16x1024xf32, #tpu.memory_space<vmem>> -> memref<16x1024xf32, #tpu.memory_space<vmem>>
    tpu.wait_dma2 semaphore(%dma_wait3A_68 : memref<!tpu.dma_semaphore, #tpu.memory_space<semaphore_mem>>) src(%dma_wait3A_74 : memref<16x1024xf32, #tpu.memory_space<vmem>>) dst(%dma_wait3A_70 : memref<16x1024xf32, #tpu.memory_space<hbm>>)
    %add3A_75 = arith.constant 464 : i32
    %add3A_76 = arith.addi %mul3A_2, %add3A_75 : i32
    %dma_wait3A_77 = arith.constant 1 : i32
    %dma_wait3A_78 = arith.constant 1 : i32
    %dma_wait3A_79 = arith.constant 0 : i32
    %dma_wait3A_80 = arith.constant 0 : i32
    %dma_wait3A_81 = tpu.memref_slice %arg6[%dma_wait3A_77, %dma_wait3A_79, %dma_wait3A_80] : memref<4x16x1024xf32, #tpu.memory_space<vmem>> -> memref<1x16x1024xf32, #tpu.memory_space<vmem>>
    %dma_wait3A_82 = tpu.memref_squeeze %dma_wait3A_81 : memref<1x16x1024xf32, #tpu.memory_space<vmem>> -> memref<16x1024xf32, #tpu.memory_space<vmem>>
    %dma_wait3A_83 = arith.constant 0 : i32
    %dma_wait3A_84 = tpu.memref_slice %arg4[%add3A_76, %dma_wait3A_83] : memref<16384x1024xf32, #tpu.memory_space<hbm>> -> memref<16x1024xf32, #tpu.memory_space<hbm>>
    %dma_wait3A_85 = tpu.memref_slice %arg8[%dma_wait3A_78] : memref<4x!tpu.dma_semaphore, #tpu.memory_space<semaphore_mem>> -> memref<1x!tpu.dma_semaphore, #tpu.memory_space<semaphore_mem>>
    %dma_wait3A_86 = tpu.memref_squeeze %dma_wait3A_85 : memref<1x!tpu.dma_semaphore, #tpu.memory_space<semaphore_mem>> -> memref<!tpu.dma_semaphore, #tpu.memory_space<semaphore_mem>>
    %dma_wait3A_87 = arith.constant 0 : i32
    %dma_wait3A_88 = tpu.memref_slice %arg4[%add3A_76, %dma_wait3A_87] : memref<16384x1024xf32, #tpu.memory_space<hbm>> -> memref<16x1024xf32, #tpu.memory_space<hbm>>
    %dma_wait3A_89 = arith.constant 0 : i32
    %dma_wait3A_90 = arith.constant 0 : i32
    %dma_wait3A_91 = tpu.memref_slice %arg6[%dma_wait3A_77, %dma_wait3A_89, %dma_wait3A_90] : memref<4x16x1024xf32, #tpu.memory_space<vmem>> -> memref<1x16x1024xf32, #tpu.memory_space<vmem>>
    %dma_wait3A_92 = tpu.memref_squeeze %dma_wait3A_91 : memref<1x16x1024xf32, #tpu.memory_space<vmem>> -> memref<16x1024xf32, #tpu.memory_space<vmem>>
    tpu.wait_dma2 semaphore(%dma_wait3A_86 : memref<!tpu.dma_semaphore, #tpu.memory_space<semaphore_mem>>) src(%dma_wait3A_92 : memref<16x1024xf32, #tpu.memory_space<vmem>>) dst(%dma_wait3A_88 : memref<16x1024xf32, #tpu.memory_space<hbm>>)
    %add3A_93 = arith.constant 480 : i32
    %add3A_94 = arith.addi %mul3A_2, %add3A_93 : i32
    %dma_wait3A_95 = arith.constant 2 : i32
    %dma_wait3A_96 = arith.constant 2 : i32
    %dma_wait3A_97 = arith.constant 0 : i32
    %dma_wait3A_98 = arith.constant 0 : i32
    %dma_wait3A_99 = tpu.memref_slice %arg6[%dma_wait3A_95, %dma_wait3A_97, %dma_wait3A_98] : memref<4x16x1024xf32, #tpu.memory_space<vmem>> -> memref<1x16x1024xf32, #tpu.memory_space<vmem>>
    %dma_wait3A_100 = tpu.memref_squeeze %dma_wait3A_99 : memref<1x16x1024xf32, #tpu.memory_space<vmem>> -> memref<16x1024xf32, #tpu.memory_space<vmem>>
    %dma_wait3A_101 = arith.constant 0 : i32
    %dma_wait3A_102 = tpu.memref_slice %arg4[%add3A_94, %dma_wait3A_101] : memref<16384x1024xf32, #tpu.memory_space<hbm>> -> memref<16x1024xf32, #tpu.memory_space<hbm>>
    %dma_wait3A_103 = tpu.memref_slice %arg8[%dma_wait3A_96] : memref<4x!tpu.dma_semaphore, #tpu.memory_space<semaphore_mem>> -> memref<1x!tpu.dma_semaphore, #tpu.memory_space<semaphore_mem>>
    %dma_wait3A_104 = tpu.memref_squeeze %dma_wait3A_103 : memref<1x!tpu.dma_semaphore, #tpu.memory_space<semaphore_mem>> -> memref<!tpu.dma_semaphore, #tpu.memory_space<semaphore_mem>>
    %dma_wait3A_105 = arith.constant 0 : i32
    %dma_wait3A_106 = tpu.memref_slice %arg4[%add3A_94, %dma_wait3A_105] : memref<16384x1024xf32, #tpu.memory_space<hbm>> -> memref<16x1024xf32, #tpu.memory_space<hbm>>
    %dma_wait3A_107 = arith.constant 0 : i32
    %dma_wait3A_108 = arith.constant 0 : i32
    %dma_wait3A_109 = tpu.memref_slice %arg6[%dma_wait3A_95, %dma_wait3A_107, %dma_wait3A_108] : memref<4x16x1024xf32, #tpu.memory_space<vmem>> -> memref<1x16x1024xf32, #tpu.memory_space<vmem>>
    %dma_wait3A_110 = tpu.memref_squeeze %dma_wait3A_109 : memref<1x16x1024xf32, #tpu.memory_space<vmem>> -> memref<16x1024xf32, #tpu.memory_space<vmem>>
    tpu.wait_dma2 semaphore(%dma_wait3A_104 : memref<!tpu.dma_semaphore, #tpu.memory_space<semaphore_mem>>) src(%dma_wait3A_110 : memref<16x1024xf32, #tpu.memory_space<vmem>>) dst(%dma_wait3A_106 : memref<16x1024xf32, #tpu.memory_space<hbm>>)
    %add3A_111 = arith.constant 496 : i32
    %add3A_112 = arith.addi %mul3A_2, %add3A_111 : i32
    %dma_wait3A_113 = arith.constant 3 : i32
    %dma_wait3A_114 = arith.constant 3 : i32
    %dma_wait3A_115 = arith.constant 0 : i32
    %dma_wait3A_116 = arith.constant 0 : i32
    %dma_wait3A_117 = tpu.memref_slice %arg6[%dma_wait3A_113, %dma_wait3A_115, %dma_wait3A_116] : memref<4x16x1024xf32, #tpu.memory_space<vmem>> -> memref<1x16x1024xf32, #tpu.memory_space<vmem>>
    %dma_wait3A_118 = tpu.memref_squeeze %dma_wait3A_117 : memref<1x16x1024xf32, #tpu.memory_space<vmem>> -> memref<16x1024xf32, #tpu.memory_space<vmem>>
    %dma_wait3A_119 = arith.constant 0 : i32
    %dma_wait3A_120 = tpu.memref_slice %arg4[%add3A_112, %dma_wait3A_119] : memref<16384x1024xf32, #tpu.memory_space<hbm>> -> memref<16x1024xf32, #tpu.memory_space<hbm>>
    %dma_wait3A_121 = tpu.memref_slice %arg8[%dma_wait3A_114] : memref<4x!tpu.dma_semaphore, #tpu.memory_space<semaphore_mem>> -> memref<1x!tpu.dma_semaphore, #tpu.memory_space<semaphore_mem>>
    %dma_wait3A_122 = tpu.memref_squeeze %dma_wait3A_121 : memref<1x!tpu.dma_semaphore, #tpu.memory_space<semaphore_mem>> -> memref<!tpu.dma_semaphore, #tpu.memory_space<semaphore_mem>>
    %dma_wait3A_123 = arith.constant 0 : i32
    %dma_wait3A_124 = tpu.memref_slice %arg4[%add3A_112, %dma_wait3A_123] : memref<16384x1024xf32, #tpu.memory_space<hbm>> -> memref<16x1024xf32, #tpu.memory_space<hbm>>
    %dma_wait3A_125 = arith.constant 0 : i32
    %dma_wait3A_126 = arith.constant 0 : i32
    %dma_wait3A_127 = tpu.memref_slice %arg6[%dma_wait3A_113, %dma_wait3A_125, %dma_wait3A_126] : memref<4x16x1024xf32, #tpu.memory_space<vmem>> -> memref<1x16x1024xf32, #tpu.memory_space<vmem>>
    %dma_wait3A_128 = tpu.memref_squeeze %dma_wait3A_127 : memref<1x16x1024xf32, #tpu.memory_space<vmem>> -> memref<16x1024xf32, #tpu.memory_space<vmem>>
    tpu.wait_dma2 semaphore(%dma_wait3A_122 : memref<!tpu.dma_semaphore, #tpu.memory_space<semaphore_mem>>) src(%dma_wait3A_128 : memref<16x1024xf32, #tpu.memory_space<vmem>>) dst(%dma_wait3A_124 : memref<16x1024xf32, #tpu.memory_space<hbm>>)
    return
  }
}

</mosaic_0001>

<sc_bundles>
// kernel: kernel.3.cloned.1.call-start
scs
__scs_entry_jumppad:
0x0: {  	(pc) =	sbr.rel $0x88, $3  }
0x1: {  	(tag) =	ssettag $0x0;
	lr =	simm.s32 $0x1  }
0x2: {  	[smem:$0x3F9F] =	sst lr;
	_ =	strace $0xD0000000  }
0x3: {  	_ = 	snop  }
0x4: {  	_ = 	snop  }
0x5: {  	_ = 	snop  }
0x6: {  	_ = 	snop  }
0x7: {  	_ = 	snop  }
__scs_overlays_trampoline_lowered:
0x8: {  	[smem:$0x3FAE] =	sst s0  }
0x9: {  	[smem:$0x3FAF] =	sst s1  }
0xa: {  	[smem:$0x3FB0] =	sst s2  }
0xb: {  	[smem:$0x3FB1] =	sst s3  }
0xc: {  	[smem:$0x3FB2] =	sst s4  }
0xd: {  	[smem:$0x3FB3] =	sst s5  }
0xe: {  	[smem:$0x3FB4] =	sst s6  }
0xf: {  	[smem:$0x3FB5] =	sst s7  }
0x10: {  	[smem:$0x3FB6] =	sst s8  }
0x11: {  	[smem:$0x3FB7] =	sst s9;
	s0 =	simm.s32 @!p0 $0x0  }
0x12: {  	s1 =	sld [smem:$0x3F9D];
	s0 =	simm.s32 @p0 $0x1  }
0x13: {  	[smem:$0x3FB8] =	sst s0;
	s0 =	simm.s32 @!p1 $0x0  }
0x14: {  	s2 =	sld [smem:$0x3F9C];
	s0 =	simm.s32 @p1 $0x1  }
0x15: {  	[smem:$0x3FB9] =	sst s0;
	s0 =	simm.s32 @!p2 $0x0  }
0x16: {  	s3 =	sld [smem:$0x3FDB];
	s0 =	simm.s32 @p2 $0x1  }
0x17: {  	s4 =	simm.s32 $0x1BF5;
	[smem:$0x3FBB] =	sst s0  }
0x18: {  	s0 =	sld [smem:$0x3F9E];
	_ =	swait.ge [sflag:s4], $0x0  }
0x19: {  	s7 =	sld [smem:$0x3F9F]  }
0x1a: {  	s8 =	sadd.s32 $0xFFFFE003, lr  }
0x1b: {  	s9 =	sadd.s32 $0xFFFFFEF7, lr;
	s5 =	simm.s32 $0xFFFFFFFF;
	p2 =	slt.u32 s8, $0xFFFFF086  }
0x1c: {  	p1 =	slt.u32 s9, $0xF7A;
	s5 =	simm.s32 @!p2 $0x0  }
0x1d: {  	s5 =	simm.s32 @p1 $0x1;
	p0 =	seq.s32 s7, s2  }
0x1e: {  	s7 =	smul.u32 @!p0 $0xF7A, s2;
	p2 =	seq.s32 @!p0 s5, $0x0  }
0x1f: {  	s9 =	smul.u32 $0xF7A, s1;
	s8 =	simm.s32 @!p0 $0x1BF5;
	p2 =	por !p2, p0  }
0x20: {  	[sflag:s8] =	ssyncset.s32 @!p0 $0xFFFFF086;
	s6 =	sadd.s32 @!p0 s3, s7;
	s7 =	simm.s32 @!p0 $0x108  }
0x21: {  	s3 =	sadd.s32 s3, s9;
	s6 =	sadd.s32 @!p0 $0x88, s6;
	s7 =	simm.s32 @p2 $0x1082  }
0x22: {  	[simem:s7], [sflag:s8] =	dma.local @!p0 [hbm:s6], $0xF7A  }
0x23: {  	s9 =	sor.u32 $0xD0000000, s2;
	s6 =	simm.s32 $0x108;
	_ =	swait.ge @!p0 [sflag:s8], $0x0  }
0x24: {  	s3 =	sadd.s32 $0x88, s3;
	s6 =	simm.s32 @!p1 $0x1082;
	[sflag:s4] =	ssyncset.s32 $0xFFFFF086  }
0x25: {  	[simem:s6], [sflag:s4] =	dma.local [hbm:s3], $0xF7A  }
0x26: {  	[smem:$0x3F9F] =	sst s1;
	(tag) =	ssettag s2;
	_ =	strace s9  }
0x27: {  	s1 =	sld [smem:$0x3FAF]  }
0x28: {  	s2 =	sld [smem:$0x3FB0]  }
0x29: {  	s4 =	sld [smem:$0x3FB2]  }
0x2a: {  	p0 =	seq.s32 s5, $0x0;
	s5 =	sld [smem:$0x3FB3]  }
0x2b: {  	s6 =	sld [smem:$0x3FB4]  }
0x2c: {  	s7 =	sld [smem:$0x3FB5]  }
0x2d: {  	s3 =	simm.s32 $0x108;
	s8 =	sld [smem:$0x3FB6]  }
0x2e: {  	s3 =	simm.s32 @!p0 $0x1082;
	s9 =	sld [smem:$0x3FB7]  }
0x2f: {  	lr =	sadd.s32 s0, s3;
	s0 =	sld [smem:$0x3FAE]  }
0x30: {  	s3 =	sld [smem:$0x3FB1]  }
0x31: {  	[smem:$0x3FBA] =	sst s10  }
0x32: {  	s10 =	sld [smem:$0x3FB8];
	_ =	sdelay $0x3  }
0x33: {  	p0 =	seq.s32 s10, $0x1;
	s10 =	sld [smem:$0x3FBA];
	_ =	sdelay $0x3  }
0x34: {  	[smem:$0x3FBA] =	sst s10  }
0x35: {  	s10 =	sld [smem:$0x3FB9];
	_ =	sdelay $0x3  }
0x36: {  	p1 =	seq.s32 s10, $0x1;
	s10 =	sld [smem:$0x3FBA];
	_ =	sdelay $0x3  }
0x37: {  	[smem:$0x3FBA] =	sst s10  }
0x38: {  	s10 =	sld [smem:$0x3FBB]  }
0x39: {  	_ = 	snop;
	(pc) =	sbr.ind lr, $3  }
0x3a: {  	_ = 	snop  }
0x3b: {  	_ = 	snop  }
0x3c: {  	p2 =	seq.s32 s10, $0x1;
	s10 =	sld [smem:$0x3FBA]  }
0x3d: {  	_ =	shalt  }
0x3e: {  	_ =	shalt  }
0x3f: {  	_ =	shalt  }
0x40: {  	_ =	shalt  }
0x41: {  	_ =	shalt  }
0x42: {  	_ =	shalt  }
0x43: {  	_ =	shalt  }
0x44: {  	_ =	shalt  }
0x45: {  	_ =	shalt  }
0x46: {  	_ =	shalt  }
0x47: {  	_ =	shalt  }
0x48: {  	_ =	shalt  }
0x49: {  	_ =	shalt  }
0x4a: {  	_ =	shalt  }
0x4b: {  	_ =	shalt  }
0x4c: {  	_ =	shalt  }
0x4d: {  	_ =	shalt  }
0x4e: {  	_ =	shalt  }
0x4f: {  	_ =	shalt  }
0x50: {  	_ =	shalt  }
0x51: {  	_ =	shalt  }
0x52: {  	_ =	shalt  }
0x53: {  	_ =	shalt  }
0x54: {  	_ =	shalt  }
0x55: {  	_ =	shalt  }
0x56: {  	_ =	shalt  }
0x57: {  	_ =	shalt  }
0x58: {  	_ =	shalt  }
0x59: {  	_ =	shalt  }
0x5a: {  	_ =	shalt  }
0x5b: {  	_ =	shalt  }
0x5c: {  	_ =	shalt  }
0x5d: {  	_ =	shalt  }
0x5e: {  	_ =	shalt  }
0x5f: {  	_ =	shalt  }
0x60: {  	_ =	shalt  }
0x61: {  	_ =	shalt  }
0x62: {  	_ =	shalt  }
0x63: {  	_ =	shalt  }
0x64: {  	_ =	shalt  }
0x65: {  	_ =	shalt  }
0x66: {  	_ =	shalt  }
0x67: {  	_ =	shalt  }
0x68: {  	_ =	shalt  }
0x69: {  	_ =	shalt  }
0x6a: {  	_ =	shalt  }
0x6b: {  	_ =	shalt  }
0x6c: {  	_ =	shalt  }
0x6d: {  	_ =	shalt  }
0x6e: {  	_ =	shalt  }
0x6f: {  	_ =	shalt  }
0x70: {  	_ =	shalt  }
0x71: {  	_ =	shalt  }
0x72: {  	_ =	shalt  }
0x73: {  	_ =	shalt  }
0x74: {  	_ =	shalt  }
0x75: {  	_ =	shalt  }
0x76: {  	_ =	shalt  }
0x77: {  	_ =	shalt  }
0x78: {  	_ =	shalt  }
0x79: {  	_ =	shalt  }
0x7a: {  	_ =	shalt  }
0x7b: {  	_ =	shalt  }
0x7c: {  	_ =	shalt  }
0x7d: {  	_ =	shalt  }
0x7e: {  	_ =	shalt  }
0x7f: {  	_ =	shalt  }
0x80: {  	_ =	shalt  }
0x81: {  	_ =	shalt  }
0x82: {  	_ =	shalt  }
0x83: {  	_ =	shalt  }
0x84: {  	_ =	shalt  }
0x85: {  	_ =	shalt  }
0x86: {  	_ =	shalt  }
0x87: {  	_ =	shalt  }
.Lfunc_end0:
.L_simem_size_0:
called_computation_lowered:
.L_overlay_start_0:
0x88: {  	s2 =	sld [smem:$0x3FD9]  }
0x89: {  	s3 =	sld [smem:$0x3FFE];
	_ =	sdelay $0x1  }
0x8a: {  	s1 =	srdreg.scid  }
0x8b: {  	s0 =	sand.u32 $0x1, s1  }
0x8c: {  	s17 =	sshll.u32 s0, $0xA;
	s2 =	sadd.s32 s3, s2  }
0x8d: {  	s2 =	sadd.s32 s2, s17  }
0x8e: {  	[smem:$0x3FC6] =	sst s2  }
0x8f: {  	_ = 	snop  }
0x90: {  	s2 =	sld [smem:$0x3FC8]  }
0x91: {  	s18 =	sld [smem:$0x3FD0];
	(tm) =	ssettm $0x1  }
0x92: {  	s4 =	sld [smem:$0x3FFB];
	_ =	sdelay $0x3  }
0x93: {  	_ =	strace s4  }
0x94: {  	s4 =	sld [smem:$0x3FFC];
	_ =	sdelay $0x3  }
0x95: {  	_ =	strace s4  }
0x96: {  	s4 =	sld [smem:$0x3FFD];
	_ =	sdelay $0x3  }
0x97: {  	_ =	strace s4  }
0x98: {  	_ =	strace $0x8FFFFFFF  }
0x99: {  	s19 =	sld [smem:$0x3FDB];
	_ =	sdelay $0x1  }
0x9a: {  	s5 =	simm.s32 $_scs_section_size  }
0x9b: {  	s6 =	simm.s32 $_size__tile_overlayer_lowered;
	s7 =	simm.s32 $_tile_overlayer_lowered  }
0x9c: {  	s22 =	simm.s32 $0x1BFF;
	s21 =	sshll.u32 s7, $0x1;
	s4 =	sadd.s32 s5, s19  }
0x9d: {  	s8 =	simm.s32 $0x0;
	s20 =	sshll.u32 s6, $0x1;
	s6 =	sadd.s32 s21, s4  }
0x9e: {  	[timem:s8], [sflag:s22] =	dma.local [hbm:s6], s20  }
0x9f: {  	_ =	swait.ge [sflag:s22], s20  }
0xa0: {  	s5 =	ssub.s32 $0x0, s20;
	[sflag:s22] =	ssyncset.done $0x0  }
0xa1: {  	[sflag:s22] =	ssyncadd.s32 s5;
	_ =	sdelay $0x1  }
0xa2: {  	s23 =	simm.s32 $0x1B8B  }
0xa3: {  	_ =	swait.ge [sflag:s23], $0x1  }
0xa4: {  	[sflag:s23] =	ssyncset.done $0x0  }
0xa5: {  	s25 =	simm.s32 $0x1B8E;
	s24 =	sld [smem:$0x3FFE];
	[sflag:s23] =	ssyncadd.s32 $0xFFFFFFFF  }
0xa6: {  	s26 =	simm.s32 $execute0_lowered;
	[smem:$0x3FD2] =	sst s25  }
0xa7: {  	s6 =	sshll.u32 s26, $0x1;
	_ =	strace $0x80000046;
	[dreg:$0x1] =	wrdreg $0xFFFFFFFF  }
0xa8: {  	s28 =	simm.s32 $_size_execute0_lowered;
	s4 =	sadd.s32 s4, s6;
	[dreg:$0x0] =	wrdreg $0x0  }
0xa9: {  	s6 =	sshll.u32 s28, $0x1;
	[dreg:$0x2] =	wrdreg s4  }
0xaa: {  	[dreg:$0x3] =	wrdreg s6  }
0xab: {  	[dreg:$0x4] =	wrdreg $0xC0  }
0xac: {  	_ =	task [dreg:s8], $0x5FFFF  }
0xad: {  	[dreg:$0x1] =	wrdreg $0xFFFFFFFF  }
0xae: {  	[dreg:$0x0] =	wrdreg $0x60  }
0xaf: {  	[dreg:$0x2] =	wrdreg s2  }
0xb0: {  	[dreg:$0x3] =	wrdreg s24  }
0xb1: {  	[dreg:$0x4] =	wrdreg s18  }
0xb2: {  	[dreg:$0x5] =	wrdreg $0x9  }
0xb3: {  	_ =	task.clear_ibuf [dreg:s8], $0x6FFFF;
	_ =	strace $0x90000046  }
0xb4: {  	s29 =	simm.s32 $0x9;
	_ =	strace $0x80000048  }
0xb5: {  	_ =	swait.ge [sflag:s29], $0x1  }
0xb6: {  	[sflag:s29] =	ssyncadd.s32 $0xFFFFFFFF  }
0xb7: {  	_ =	strace $0x90000048  }
0xb8: {  	_ =	sfence  }
0xb9: {  	s30 =	sld [smem:$0x0];
	_ =	sdelay $0x2  }
0xba: {  	s31 =	sshll.u32 s1, $0xD;
	s1 =	sshrl.u32 s1, $0x2  }
0xbb: {  	s3 =	sand.u32 $0x4000, s31;
	s1 =	sadd.s32 s1, s30  }
0xbc: {  	s0 =	sor.u32 s3, s0;
	s1 =	sshll.u32 s1, $0x11  }
0xbd: {  	s0 =	sor.u32 s1, s0  }
0xbe: {  	s0 =	sadd.s32 $0x8F2B, s0  }
0xbf: {  	[sflag:s0] =	ssyncadd.remote.s32 $0x1  }
0xc0: {  	_ =	sfence.sel $0xFFFF  }
0xc1: {  	[dreg:$0x0] =	wrdreg $0xFFFFFFFF;
	(pc) =	sbr.abs _section_cstart, $3  }
0xc2: {  	[dreg:$0x1] =	wrdreg $0xFFFFFFFF  }
0xc3: {  	_ =	task.clear_ibuf [dreg:s8], $0x2FFFF;
	_ =	strace $0x9FFFFFFF  }
0xc4: {  	(tm) =	ssettm $0x7FFFFFFF  }
0xc5: {  	_ =	shalt  }
tec
execute0_lowered:
.L_overlay_start_1:
0x0: {  	(tag) =	ssettag $0x1  }
0x1: {  	s2 =	rddreg [dreg:$0x0]  }
0x2: {  	s0 =	rddreg [dreg:$0x1]  }
0x3: {  	s1 =	srdreg.scid;
	s4 =	rddreg [dreg:$0x2]  }
0x4: {  	s9 =	stileid.u32;
	s3 =	simm.s32 $0x0;
	s11 =	simm.s32 $0x200  }
0x5: {  	s19 =	simm.s32 $0x4200;
	s28 =	simm.s32 $0x8200;
	s14 =	simm.s32 $0xC200  }
0x6: {  	s15 =	simm.s32 $0xCA00;
	s16 =	simm.s32 $0xD200;
	s17 =	simm.s32 $0xDA00  }
0x7: {  	s18 =	simm.s32 $0xE200;
	s20 =	simm.s32 $0xEA00;
	s21 =	simm.s32 $0xF200  }
0x8: {  	s22 =	simm.s32 $0xFA00;
	s23 =	simm.s32 $0x1;
	s29 =	simm.s32 $0x5  }
0x9: {  	s30 =	simm.s32 $0x6;
	s31 =	simm.s32 $0x7;
	s1 =	sand.u32 $0x1, s1  }
0xa: {  	s5 =	sshll.u32 s9, $0xA;
	[smem:$0x7FF] =	sst s3;
	s25 =	sshll.u32 s9, $0x11  }
0xb: {  	s6 =	sshll.u32 s1, $0x9;
	s24 =	ssub.s32 $0x2, s1;
	_ =	strace $0x80000047  }
0xc: {  	s1 =	sshll.u32 s1, $0x10;
	s5 =	sor.u32 s6, s5;
	s7 =	sshrl.u32 s24, $0x1  }
0xd: {  	s6 =	sadd.s32 $0x200, s2;
	s5 =	sshrl.u32 s5, $0x3;
	s8 =	ssub.s32 s24, s7  }
.Ltmp0:
0xe: {  	s7 =	sadd.s32 $0x300, s2;
	s24 =	simm.s32 $0x2;
	(pc) =	sbr.rel .LBB2_1-.Ltmp0, $4  }
0xf: {  	s0 =	sadd.s32 s5, s0;
	s5 =	sadd.s32 $0x100, s2;
	s26 =	smax.u32 s8, $0x1  }
0x10: {  	v2 =	vlaneseq.u32;
	s0 =	sadd.s32 $0x400, s0;
	[dreg:$0x5] =	wrdreg s26;
	s26 =	simm.s32 $0x4  }
0x11: {  	vm0 =	vmmov $0xffff;
	v1 =	vshrl.u32 v2, $0x3;
	[dreg:$0x4] =	wrdreg s0;
	s0 =	sadd.s32 s25, s4;
	s25 =	simm.s32 $0x3  }
0x12: {  	v0 =	vand.u32 $0x7, v2;
	v2 =	vor.u32 $0x8, v2;
	v1 =	vmul.u32 $0x8, v1;
	s9 =	sadd.s32 s1, s0;
	s0 =	simm.s32 $0x8;
	s1 =	simm.s32 $0x0  }
.LBB2_4:
0x13: {  	_ =	swait.ge [sflag:s29], $0x4000  }
0x14: {  	[sflag:s29] =	ssyncset.done $0x0  }
0x15: {  	[sflag:s29] =	ssyncadd.s32 $0xFFFFC000  }
0x16: {  	_ =	swait.ge [sflag:s30], $0x4000  }
0x17: {  	[sflag:s30] =	ssyncset.done $0x0  }
0x18: {  	[sflag:s30] =	ssyncadd.s32 $0xFFFFC000  }
0x19: {  	_ =	swait.ge [sflag:s31], $0x4000  }
0x1a: {  	[sflag:s31] =	ssyncset.done $0x0  }
0x1b: {  	[sflag:s31] =	ssyncadd.s32 $0xFFFFC000  }
0x1c: {  	_ =	swait.ge [sflag:s0], $0x4000  }
0x1d: {  	s1 =	sadd.s32 $0x1, s1;
	s4 =	rddreg [dreg:$0x5]  }
0x1e: {  	p0 =	sne.s32 s1, s4  }
.Ltmp1:
0x1f: {  	_ = 	snop;
	(pc) =	sbr.rel @!p0 .LBB2_5-.Ltmp1, $3  }
0x20: {  	_ =	sdelay $0x1  }
0x21: {  	[sflag:s0] =	ssyncset.done $0x0  }
0x22: {  	[sflag:s0] =	ssyncadd.s32 $0xFFFFC000  }
.LBB2_1:
0x23: {  	s4 =	rddreg [dreg:$0x4];
	s12 =	simm.s32 $0x9  }
0x24: {  	[tilespmem:s3], [sflag:$0x9] =	stream.linear.gather [hbm4b:s4+s3], $0x200, $0x38;
	[tilespmem:$0x10200] =	vst v63  }
0x25: {  	_ =	swait.ge [sflag:s12], $0x200  }
0x26: {  	[sflag:s12] =	ssyncset.done $0x0  }
0x27: {  	[sflag:s12] =	ssyncadd.s32 $0xFFFFFE00  }
0x28: {  	v3 =	vld [tilespmem:$0x0];
	_ =	sdelay $0x4  }
0x29: {  	v4 =	vshll.u32 v3, $0x3  }
0x2a: {  	v3 =	vand.u32 $0x7, v3;
	v4 =	vand.u32 $0xFFFFFFC0, v4  }
0x2b: {  	v3 =	vor.u32 v3, v4  }
0x2c: {  	v4 =	vperm.xlane v3, v0;
	_ =	sdelay $0x1  }
0x2d: {  	v4 =	vadd.s32 v1, v4;
	_ =	sdelay $0x4  }
0x2e: {  	[tilespmem:s11], [sflag:$0x1] =	stream.indirect_vreg.gather [hbm4b:s2+s3], $0x80, v4, vm0, $0xb8;
	[tilespmem:$0x10200] =	vst v63  }
0x2f: {  	s13 =	simm.s32 $0xA00;
	v3 =	vperm.xlane v3, v2  }
0x30: {  	[tilespmem:s13], [sflag:$0x1] =	stream.indirect_vreg.gather [hbm4b:s5+s3], $0x80, v4, vm0, $0xb8;
	[tilespmem:$0x10200] =	vst v63  }
0x31: {  	s8 =	simm.s32 $0x1200;
	v3 =	vadd.s32 v1, v3  }
0x32: {  	[tilespmem:s8], [sflag:$0x1] =	stream.indirect_vreg.gather [hbm4b:s6+s3], $0x80, v4, vm0, $0xb8;
	[tilespmem:$0x10200] =	vst v63  }
0x33: {  	s10 =	simm.s32 $0x1A00  }
0x34: {  	[tilespmem:s10], [sflag:$0x1] =	stream.indirect_vreg.gather [hbm4b:s7+s3], $0x80, v4, vm0, $0xb8;
	[tilespmem:$0x10200] =	vst v63  }
0x35: {  	s12 =	simm.s32 $0x2200  }
0x36: {  	[tilespmem:s12], [sflag:$0x1] =	stream.indirect_vreg.gather [hbm4b:s2+s3], $0x80, v3, vm0, $0xb8;
	[tilespmem:$0x10200] =	vst v63  }
0x37: {  	s13 =	simm.s32 $0x2A00  }
0x38: {  	[tilespmem:s13], [sflag:$0x1] =	stream.indirect_vreg.gather [hbm4b:s5+s3], $0x80, v3, vm0, $0xb8;
	[tilespmem:$0x10200] =	vst v63  }
0x39: {  	s8 =	simm.s32 $0x3200  }
0x3a: {  	[tilespmem:s8], [sflag:$0x1] =	stream.indirect_vreg.gather [hbm4b:s6+s3], $0x80, v3, vm0, $0xb8;
	[tilespmem:$0x10200] =	vst v63  }
0x3b: {  	s10 =	simm.s32 $0x3A00  }
0x3c: {  	[tilespmem:s10], [sflag:$0x1] =	stream.indirect_vreg.gather [hbm4b:s7+s3], $0x80, v3, vm0, $0xb8;
	[tilespmem:$0x10200] =	vst v63  }
0x3d: {  	v3 =	vld [tilespmem:$0x10];
	_ =	sdelay $0x4  }
0x3e: {  	v61 =	vshll.u32 v3, $0x3  }
0x3f: {  	v3 =	vand.u32 $0x7, v3;
	v4 =	vand.u32 $0xFFFFFFC0, v61  }
0x40: {  	v3 =	vor.u32 v3, v4  }
0x41: {  	v4 =	vperm.xlane v3, v0;
	_ =	sdelay $0x1  }
0x42: {  	v4 =	vadd.s32 v1, v4;
	_ =	sdelay $0x4  }
0x43: {  	[tilespmem:s19], [sflag:$0x2] =	stream.indirect_vreg.gather [hbm4b:s2+s3], $0x80, v4, vm0, $0xb8;
	[tilespmem:$0x10200] =	vst v63  }
0x44: {  	s12 =	simm.s32 $0x4A00;
	v3 =	vperm.xlane v3, v2  }
0x45: {  	[tilespmem:s12], [sflag:$0x2] =	stream.indirect_vreg.gather [hbm4b:s5+s3], $0x80, v4, vm0, $0xb8;
	[tilespmem:$0x10200] =	vst v63  }
0x46: {  	s13 =	simm.s32 $0x5200;
	v3 =	vadd.s32 v1, v3  }
0x47: {  	[tilespmem:s13], [sflag:$0x2] =	stream.indirect_vreg.gather [hbm4b:s6+s3], $0x80, v4, vm0, $0xb8;
	[tilespmem:$0x10200] =	vst v63  }
0x48: {  	s8 =	simm.s32 $0x5A00  }
0x49: {  	[tilespmem:s8], [sflag:$0x2] =	stream.indirect_vreg.gather [hbm4b:s7+s3], $0x80, v4, vm0, $0xb8;
	[tilespmem:$0x10200] =	vst v63  }
0x4a: {  	s10 =	simm.s32 $0x6200  }
0x4b: {  	[tilespmem:s10], [sflag:$0x2] =	stream.indirect_vreg.gather [hbm4b:s2+s3], $0x80, v3, vm0, $0xb8;
	[tilespmem:$0x10200] =	vst v63  }
0x4c: {  	s12 =	simm.s32 $0x6A00  }
0x4d: {  	[tilespmem:s12], [sflag:$0x2] =	stream.indirect_vreg.gather [hbm4b:s5+s3], $0x80, v3, vm0, $0xb8;
	[tilespmem:$0x10200] =	vst v63  }
0x4e: {  	s13 =	simm.s32 $0x7200  }
0x4f: {  	[tilespmem:s13], [sflag:$0x2] =	stream.indirect_vreg.gather [hbm4b:s6+s3], $0x80, v3, vm0, $0xb8;
	[tilespmem:$0x10200] =	vst v63  }
0x50: {  	s8 =	simm.s32 $0x7A00  }
0x51: {  	[tilespmem:s8], [sflag:$0x2] =	stream.indirect_vreg.gather [hbm4b:s7+s3], $0x80, v3, vm0, $0xb8;
	[tilespmem:$0x10200] =	vst v63  }
0x52: {  	v3 =	vld [tilespmem:$0x20];
	_ =	sdelay $0x4  }
0x53: {  	v62 =	vshll.u32 v3, $0x3  }
0x54: {  	v3 =	vand.u32 $0x7, v3;
	v4 =	vand.u32 $0xFFFFFFC0, v62  }
0x55: {  	v3 =	vor.u32 v3, v4  }
0x56: {  	v4 =	vperm.xlane v3, v0;
	_ =	sdelay $0x1  }
0x57: {  	v4 =	vadd.s32 v1, v4;
	_ =	sdelay $0x4  }
0x58: {  	[tilespmem:s28], [sflag:$0x3] =	stream.indirect_vreg.gather [hbm4b:s2+s3], $0x80, v4, vm0, $0xb8;
	[tilespmem:$0x10200] =	vst v63  }
0x59: {  	s10 =	simm.s32 $0x8A00;
	v3 =	vperm.xlane v3, v2  }
0x5a: {  	[tilespmem:s10], [sflag:$0x3] =	stream.indirect_vreg.gather [hbm4b:s5+s3], $0x80, v4, vm0, $0xb8;
	[tilespmem:$0x10200] =	vst v63  }
0x5b: {  	s12 =	simm.s32 $0x9200;
	v3 =	vadd.s32 v1, v3  }
0x5c: {  	[tilespmem:s12], [sflag:$0x3] =	stream.indirect_vreg.gather [hbm4b:s6+s3], $0x80, v4, vm0, $0xb8;
	[tilespmem:$0x10200] =	vst v63  }
0x5d: {  	s13 =	simm.s32 $0x9A00  }
0x5e: {  	[tilespmem:s13], [sflag:$0x3] =	stream.indirect_vreg.gather [hbm4b:s7+s3], $0x80, v4, vm0, $0xb8;
	[tilespmem:$0x10200] =	vst v63  }
0x5f: {  	s8 =	simm.s32 $0xA200  }
0x60: {  	[tilespmem:s8], [sflag:$0x3] =	stream.indirect_vreg.gather [hbm4b:s2+s3], $0x80, v3, vm0, $0xb8;
	[tilespmem:$0x10200] =	vst v63  }
0x61: {  	s10 =	simm.s32 $0xAA00  }
0x62: {  	[tilespmem:s10], [sflag:$0x3] =	stream.indirect_vreg.gather [hbm4b:s5+s3], $0x80, v3, vm0, $0xb8;
	[tilespmem:$0x10200] =	vst v63  }
0x63: {  	s12 =	simm.s32 $0xB200  }
0x64: {  	[tilespmem:s12], [sflag:$0x3] =	stream.indirect_vreg.gather [hbm4b:s6+s3], $0x80, v3, vm0, $0xb8;
	[tilespmem:$0x10200] =	vst v63  }
0x65: {  	s13 =	simm.s32 $0xBA00  }
0x66: {  	[tilespmem:s13], [sflag:$0x3] =	stream.indirect_vreg.gather [hbm4b:s7+s3], $0x80, v3, vm0, $0xb8;
	[tilespmem:$0x10200] =	vst v63  }
0x67: {  	v3 =	vld [tilespmem:$0x30];
	_ =	sdelay $0x4  }
0x68: {  	v63 =	vshll.u32 v3, $0x3  }
0x69: {  	v3 =	vand.u32 $0x7, v3;
	v4 =	vand.u32 $0xFFFFFFC0, v63  }
0x6a: {  	v3 =	vor.u32 v3, v4  }
0x6b: {  	v4 =	vperm.xlane v3, v0;
	_ =	sdelay $0x1  }
0x6c: {  	v4 =	vadd.s32 v1, v4;
	_ =	sdelay $0x4  }
0x6d: {  	[tilespmem:s14], [sflag:$0x4] =	stream.indirect_vreg.gather [hbm4b:s2+s3], $0x80, v4, vm0, $0xb8;
	[tilespmem:$0x10200] =	vst v63  }
0x6e: {  	v3 =	vperm.xlane v3, v2  }
0x6f: {  	[tilespmem:s15], [sflag:$0x4] =	stream.indirect_vreg.gather [hbm4b:s5+s3], $0x80, v4, vm0, $0xb8;
	[tilespmem:$0x10200] =	vst v63  }
0x70: {  	v3 =	vadd.s32 v1, v3  }
0x71: {  	[tilespmem:s16], [sflag:$0x4] =	stream.indirect_vreg.gather [hbm4b:s6+s3], $0x80, v4, vm0, $0xb8;
	[tilespmem:$0x10200] =	vst v63  }
0x72: {  	_ = 	snop  }
0x73: {  	[tilespmem:s17], [sflag:$0x4] =	stream.indirect_vreg.gather [hbm4b:s7+s3], $0x80, v4, vm0, $0xb8;
	[tilespmem:$0x10200] =	vst v63  }
0x74: {  	_ = 	snop  }
0x75: {  	[tilespmem:s18], [sflag:$0x4] =	stream.indirect_vreg.gather [hbm4b:s2+s3], $0x80, v3, vm0, $0xb8;
	[tilespmem:$0x10200] =	vst v63  }
0x76: {  	_ = 	snop  }
0x77: {  	[tilespmem:s20], [sflag:$0x4] =	stream.indirect_vreg.gather [hbm4b:s5+s3], $0x80, v3, vm0, $0xb8;
	[tilespmem:$0x10200] =	vst v63  }
0x78: {  	_ = 	snop  }
0x79: {  	[tilespmem:s21], [sflag:$0x4] =	stream.indirect_vreg.gather [hbm4b:s6+s3], $0x80, v3, vm0, $0xb8;
	[tilespmem:$0x10200] =	vst v63  }
0x7a: {  	s12 =	simm.s32 $0x70;
	s13 =	simm.s32 $0x0  }
0x7b: {  	[tilespmem:s22], [sflag:$0x4] =	stream.indirect_vreg.gather [hbm4b:s7+s3], $0x80, v3, vm0, $0xb8;
	[tilespmem:$0x10200] =	vst v63  }
.LBB2_2:
0x7c: {  	_ =	swait.ge [sflag:s23], $0x4000  }
0x7d: {  	p0 =	seq.s32 s13, $0xE000;
	[sflag:s23] =	ssyncset.done $0x0  }
0x7e: {  	s4 =	sadd.s32 s13, s9;
	s8 =	simm.s32 @!p0 $0x5;
	[sflag:s23] =	ssyncadd.s32 $0xFFFFC000  }
0x7f: {  	[hbm4b:s4+s3] =	stream.linear.scatter [tilespmem:s11], [sflag:$0x5], $0x4000, $0x38;
	[tilespmem:$0x10200] =	vst v63  }
0x80: {  	_ =	swait.ge @!p0 [sflag:s8], $0x4000  }
0x81: {  	[sflag:s8] =	ssyncset.done @!p0 $0x0  }
0x82: {  	[sflag:s8] =	ssyncadd.s32 @!p0 $0xFFFFC000  }
0x83: {  	v3 =	vld @!p0 [tilespmem:s12+$0xFFFFFFD0];
	_ =	sdelay $0x4  }
0x84: {  	v4 =	vshll.u32 @!p0 v3, $0x3  }
0x85: {  	v5 =	vlaneseq.u32 @!p0;
	v3 =	vand.u32 @!p0 $0x7, v3;
	v4 =	vand.u32 @!p0 $0xFFFFFFC0, v4  }
0x86: {  	v6 =	vshrl.u32 @!p0 v5, $0x3;
	v3 =	vor.u32 @!p0 v3, v4;
	v4 =	vand.u32 @!p0 $0x7, v5  }
0x87: {  	v6 =	vmul.u32 @!p0 $0x8, v6;
	v7 =	vperm.xlane @!p0 v3, v4;
	_ =	sdelay $0x1  }
0x88: {  	v7 =	vadd.s32 @!p0 v6, v7;
	_ =	sdelay $0x3  }
0x89: {  	vm1 =	vmmov @!p0 $0xffff;
	s10 =	simm.s32 @!p0 $0x200;
	s8 =	simm.s32 @!p0 $0x0  }
0x8a: {  	v5 =	vor.u32 @!p0 $0x8, v5;
	[tilespmem:s10], [sflag:$0x1] =	stream.indirect_vreg.gather @!p0 [hbm4b:s2+s8], $0x80, v7, vm1, $0xb8;
	[tilespmem:$0x10200] =	vst v63  }
0x8b: {  	v3 =	vperm.xlane @!p0 v3, v5;
	s10 =	simm.s32 @!p0 $0xA00  }
0x8c: {  	[tilespmem:s10], [sflag:$0x1] =	stream.indirect_vreg.gather @!p0 [hbm4b:s5+s8], $0x80, v7, vm1, $0xb8;
	[tilespmem:$0x10200] =	vst v63  }
0x8d: {  	v3 =	vadd.s32 @!p0 v6, v3;
	s10 =	simm.s32 @!p0 $0x1200  }
0x8e: {  	[tilespmem:s10], [sflag:$0x1] =	stream.indirect_vreg.gather @!p0 [hbm4b:s6+s8], $0x80, v7, vm1, $0xb8;
	[tilespmem:$0x10200] =	vst v63  }
0x8f: {  	s10 =	simm.s32 @!p0 $0x1A00  }
0x90: {  	[tilespmem:s10], [sflag:$0x1] =	stream.indirect_vreg.gather @!p0 [hbm4b:s7+s8], $0x80, v7, vm1, $0xb8;
	[tilespmem:$0x10200] =	vst v63  }
0x91: {  	s10 =	simm.s32 @!p0 $0x2200  }
0x92: {  	[tilespmem:s10], [sflag:$0x1] =	stream.indirect_vreg.gather @!p0 [hbm4b:s2+s8], $0x80, v3, vm1, $0xb8;
	[tilespmem:$0x10200] =	vst v63  }
0x93: {  	s10 =	simm.s32 @!p0 $0x2A00  }
0x94: {  	[tilespmem:s10], [sflag:$0x1] =	stream.indirect_vreg.gather @!p0 [hbm4b:s5+s8], $0x80, v3, vm1, $0xb8;
	[tilespmem:$0x10200] =	vst v63  }
0x95: {  	s10 =	simm.s32 @!p0 $0x3200  }
0x96: {  	[tilespmem:s10], [sflag:$0x1] =	stream.indirect_vreg.gather @!p0 [hbm4b:s6+s8], $0x80, v3, vm1, $0xb8;
	[tilespmem:$0x10200] =	vst v63  }
0x97: {  	s10 =	simm.s32 @!p0 $0x3A00  }
0x98: {  	[tilespmem:s10], [sflag:$0x1] =	stream.indirect_vreg.gather @!p0 [hbm4b:s7+s8], $0x80, v3, vm1, $0xb8;
	[tilespmem:$0x10200] =	vst v63  }
0x99: {  	_ =	swait.ge [sflag:s24], $0x4000  }
0x9a: {  	[sflag:s24] =	ssyncset.done $0x0  }
0x9b: {  	s10 =	sadd.s32 $0x800, s4;
	[sflag:s24] =	ssyncadd.s32 $0xFFFFC000  }
0x9c: {  	[hbm4b:s10+s3] =	stream.linear.scatter [tilespmem:s19], [sflag:$0x6], $0x4000, $0x38;
	[tilespmem:$0x10200] =	vst v63  }
0x9d: {  	s10 =	simm.s32 @!p0 $0x6  }
0x9e: {  	_ =	swait.ge @!p0 [sflag:s10], $0x4000  }
0x9f: {  	[sflag:s10] =	ssyncset.done @!p0 $0x0  }
0xa0: {  	[sflag:s10] =	ssyncadd.s32 @!p0 $0xFFFFC000  }
0xa1: {  	v3 =	vld @!p0 [tilespmem:s12+$0xFFFFFFE0];
	_ =	sdelay $0x4  }
0xa2: {  	v7 =	vshll.u32 @!p0 v3, $0x3  }
0xa3: {  	v3 =	vand.u32 @!p0 $0x7, v3;
	v7 =	vand.u32 @!p0 $0xFFFFFFC0, v7  }
0xa4: {  	v3 =	vor.u32 @!p0 v3, v7  }
0xa5: {  	v7 =	vperm.xlane @!p0 v3, v4;
	_ =	sdelay $0x1  }
0xa6: {  	v7 =	vadd.s32 @!p0 v6, v7;
	_ =	sdelay $0x3  }
0xa7: {  	s10 =	simm.s32 @!p0 $0x4200  }
0xa8: {  	[tilespmem:s10], [sflag:$0x2] =	stream.indirect_vreg.gather @!p0 [hbm4b:s2+s8], $0x80, v7, vm1, $0xb8;
	[tilespmem:$0x10200] =	vst v63  }
0xa9: {  	v3 =	vperm.xlane @!p0 v3, v5;
	s10 =	simm.s32 @!p0 $0x4A00  }
0xaa: {  	[tilespmem:s10], [sflag:$0x2] =	stream.indirect_vreg.gather @!p0 [hbm4b:s5+s8], $0x80, v7, vm1, $0xb8;
	[tilespmem:$0x10200] =	vst v63  }
0xab: {  	v3 =	vadd.s32 @!p0 v6, v3;
	s10 =	simm.s32 @!p0 $0x5200  }
0xac: {  	[tilespmem:s10], [sflag:$0x2] =	stream.indirect_vreg.gather @!p0 [hbm4b:s6+s8], $0x80, v7, vm1, $0xb8;
	[tilespmem:$0x10200] =	vst v63  }
0xad: {  	s10 =	simm.s32 @!p0 $0x5A00  }
0xae: {  	[tilespmem:s10], [sflag:$0x2] =	stream.indirect_vreg.gather @!p0 [hbm4b:s7+s8], $0x80, v7, vm1, $0xb8;
	[tilespmem:$0x10200] =	vst v63  }
0xaf: {  	s10 =	simm.s32 @!p0 $0x6200  }
0xb0: {  	[tilespmem:s10], [sflag:$0x2] =	stream.indirect_vreg.gather @!p0 [hbm4b:s2+s8], $0x80, v3, vm1, $0xb8;
	[tilespmem:$0x10200] =	vst v63  }
0xb1: {  	s10 =	simm.s32 @!p0 $0x6A00  }
0xb2: {  	[tilespmem:s10], [sflag:$0x2] =	stream.indirect_vreg.gather @!p0 [hbm4b:s5+s8], $0x80, v3, vm1, $0xb8;
	[tilespmem:$0x10200] =	vst v63  }
0xb3: {  	s10 =	simm.s32 @!p0 $0x7200  }
0xb4: {  	[tilespmem:s10], [sflag:$0x2] =	stream.indirect_vreg.gather @!p0 [hbm4b:s6+s8], $0x80, v3, vm1, $0xb8;
	[tilespmem:$0x10200] =	vst v63  }
0xb5: {  	s10 =	simm.s32 @!p0 $0x7A00  }
0xb6: {  	[tilespmem:s10], [sflag:$0x2] =	stream.indirect_vreg.gather @!p0 [hbm4b:s7+s8], $0x80, v3, vm1, $0xb8;
	[tilespmem:$0x10200] =	vst v63  }
0xb7: {  	_ =	swait.ge [sflag:s25], $0x4000  }
0xb8: {  	[sflag:s25] =	ssyncset.done $0x0  }
0xb9: {  	s10 =	sadd.s32 $0x1000, s4;
	[sflag:s25] =	ssyncadd.s32 $0xFFFFC000  }
0xba: {  	[hbm4b:s10+s3] =	stream.linear.scatter [tilespmem:s28], [sflag:$0x7], $0x4000, $0x38;
	[tilespmem:$0x10200] =	vst v63  }
0xbb: {  	s10 =	simm.s32 @!p0 $0x7  }
0xbc: {  	_ =	swait.ge @!p0 [sflag:s10], $0x4000  }
0xbd: {  	[sflag:s10] =	ssyncset.done @!p0 $0x0  }
0xbe: {  	[sflag:s10] =	ssyncadd.s32 @!p0 $0xFFFFC000  }
0xbf: {  	v3 =	vld @!p0 [tilespmem:s12+$0xFFFFFFF0];
	_ =	sdelay $0x4  }
0xc0: {  	v7 =	vshll.u32 @!p0 v3, $0x3  }
0xc1: {  	v3 =	vand.u32 @!p0 $0x7, v3;
	v7 =	vand.u32 @!p0 $0xFFFFFFC0, v7  }
0xc2: {  	v3 =	vor.u32 @!p0 v3, v7  }
0xc3: {  	v4 =	vperm.xlane @!p0 v3, v4;
	_ =	sdelay $0x1  }
0xc4: {  	v4 =	vadd.s32 @!p0 v6, v4;
	_ =	sdelay $0x3  }
0xc5: {  	s10 =	simm.s32 @!p0 $0x8200  }
0xc6: {  	[tilespmem:s10], [sflag:$0x3] =	stream.indirect_vreg.gather @!p0 [hbm4b:s2+s8], $0x80, v4, vm1, $0xb8;
	[tilespmem:$0x10200] =	vst v63  }
0xc7: {  	v3 =	vperm.xlane @!p0 v3, v5;
	s10 =	simm.s32 @!p0 $0x8A00  }
0xc8: {  	[tilespmem:s10], [sflag:$0x3] =	stream.indirect_vreg.gather @!p0 [hbm4b:s5+s8], $0x80, v4, vm1, $0xb8;
	[tilespmem:$0x10200] =	vst v63  }
0xc9: {  	v3 =	vadd.s32 @!p0 v6, v3;
	s10 =	simm.s32 @!p0 $0x9200  }
0xca: {  	[tilespmem:s10], [sflag:$0x3] =	stream.indirect_vreg.gather @!p0 [hbm4b:s6+s8], $0x80, v4, vm1, $0xb8;
	[tilespmem:$0x10200] =	vst v63  }
0xcb: {  	s10 =	simm.s32 @!p0 $0x9A00  }
0xcc: {  	[tilespmem:s10], [sflag:$0x3] =	stream.indirect_vreg.gather @!p0 [hbm4b:s7+s8], $0x80, v4, vm1, $0xb8;
	[tilespmem:$0x10200] =	vst v63  }
0xcd: {  	s10 =	simm.s32 @!p0 $0xA200  }
0xce: {  	[tilespmem:s10], [sflag:$0x3] =	stream.indirect_vreg.gather @!p0 [hbm4b:s2+s8], $0x80, v3, vm1, $0xb8;
	[tilespmem:$0x10200] =	vst v63  }
0xcf: {  	s10 =	simm.s32 @!p0 $0xAA00  }
0xd0: {  	[tilespmem:s10], [sflag:$0x3] =	stream.indirect_vreg.gather @!p0 [hbm4b:s5+s8], $0x80, v3, vm1, $0xb8;
	[tilespmem:$0x10200] =	vst v63  }
0xd1: {  	s10 =	simm.s32 @!p0 $0xB200  }
0xd2: {  	[tilespmem:s10], [sflag:$0x3] =	stream.indirect_vreg.gather @!p0 [hbm4b:s6+s8], $0x80, v3, vm1, $0xb8;
	[tilespmem:$0x10200] =	vst v63  }
0xd3: {  	s10 =	simm.s32 @!p0 $0xBA00  }
0xd4: {  	[tilespmem:s10], [sflag:$0x3] =	stream.indirect_vreg.gather @!p0 [hbm4b:s7+s8], $0x80, v3, vm1, $0xb8;
	[tilespmem:$0x10200] =	vst v63  }
.Ltmp2:
0xd5: {  	_ = 	snop;
	(pc) =	sbr.rel @p0 .LBB2_4-.Ltmp2, $4  }
0xd6: {  	_ =	swait.ge [sflag:s26], $0x4000  }
0xd7: {  	[sflag:s26] =	ssyncset.done $0x0  }
0xd8: {  	s4 =	sadd.s32 $0x1800, s4;
	[sflag:s26] =	ssyncadd.s32 $0xFFFFC000  }
0xd9: {  	[hbm4b:s4+s3] =	stream.linear.scatter [tilespmem:s14], [sflag:$0x8], $0x4000, $0x38;
	[tilespmem:$0x10200] =	vst v63  }
0xda: {  	_ =	swait.ge [sflag:s0], $0x4000  }
0xdb: {  	[sflag:s0] =	ssyncset.done $0x0  }
0xdc: {  	[sflag:s0] =	ssyncadd.s32 $0xFFFFC000  }
0xdd: {  	v3 =	vld [tilespmem:s12+$0x0];
	_ =	sdelay $0x4  }
0xde: {  	v4 =	vshll.u32 v3, $0x3  }
0xdf: {  	v3 =	vand.u32 $0x7, v3;
	v4 =	vand.u32 $0xFFFFFFC0, v4  }
0xe0: {  	v3 =	vor.u32 v3, v4  }
0xe1: {  	v4 =	vperm.xlane v3, v0;
	_ =	sdelay $0x1  }
0xe2: {  	v4 =	vadd.s32 v1, v4;
	_ =	sdelay $0x4  }
0xe3: {  	[tilespmem:s14], [sflag:$0x4] =	stream.indirect_vreg.gather [hbm4b:s2+s3], $0x80, v4, vm0, $0xb8;
	[tilespmem:$0x10200] =	vst v63  }
0xe4: {  	v3 =	vperm.xlane v3, v2  }
0xe5: {  	[tilespmem:s15], [sflag:$0x4] =	stream.indirect_vreg.gather [hbm4b:s5+s3], $0x80, v4, vm0, $0xb8;
	[tilespmem:$0x10200] =	vst v63  }
0xe6: {  	v3 =	vadd.s32 v1, v3  }
0xe7: {  	[tilespmem:s16], [sflag:$0x4] =	stream.indirect_vreg.gather [hbm4b:s6+s3], $0x80, v4, vm0, $0xb8;
	[tilespmem:$0x10200] =	vst v63  }
0xe8: {  	_ = 	snop  }
0xe9: {  	[tilespmem:s17], [sflag:$0x4] =	stream.indirect_vreg.gather [hbm4b:s7+s3], $0x80, v4, vm0, $0xb8;
	[tilespmem:$0x10200] =	vst v63  }
0xea: {  	_ = 	snop  }
0xeb: {  	[tilespmem:s18], [sflag:$0x4] =	stream.indirect_vreg.gather [hbm4b:s2+s3], $0x80, v3, vm0, $0xb8;
	[tilespmem:$0x10200] =	vst v63  }
0xec: {  	_ = 	snop  }
0xed: {  	[tilespmem:s20], [sflag:$0x4] =	stream.indirect_vreg.gather [hbm4b:s5+s3], $0x80, v3, vm0, $0xb8;
	[tilespmem:$0x10200] =	vst v63  }
.Ltmp3:
0xee: {  	_ = 	snop;
	(pc) =	sbr.rel .LBB2_2-.Ltmp3, $4  }
0xef: {  	_ = 	snop  }
0xf0: {  	[tilespmem:s21], [sflag:$0x4] =	stream.indirect_vreg.gather [hbm4b:s6+s3], $0x80, v3, vm0, $0xb8;
	[tilespmem:$0x10200] =	vst v63  }
0xf1: {  	s13 =	sadd.s32 $0x2000, s13;
	s12 =	sadd.s32 $0x40, s12  }
0xf2: {  	[tilespmem:s22], [sflag:$0x4] =	stream.indirect_vreg.gather [hbm4b:s7+s3], $0x80, v3, vm0, $0xb8;
	[tilespmem:$0x10200] =	vst v63  }
.LBB2_5:
0xf3: {  	_ =	sfence.sel $0x180000  }
0xf4: {  	[bflag:$0x0] =	sbarrier.arrive $0xFFFF  }
0xf5: {  	_ =	strace $0x90000047  }
0xf6: {  	s0 =	stileid.u32;
	[bflag:$0x2] =	sbarrier.arrive $0xFFFF  }
0xf7: {  	p0 =	sne.s32 s0, $0x0;
	s0 =	rddreg [dreg:$0x3]  }
0xf8: {  	s0 =	sadd.s32 @!p0 $0x100000, s0  }
0xf9: {  	[sflag:s0] =	ssyncadd.tile.s32 @!p0 $0x1;
	_ =	shalt  }
.Lfunc_end2:
_tile_overlayer_lowered:
.L_overlay_start_2:
0xfa: {  	(tag) =	ssettag $0x2  }
0xfb: {  	s0 =	rddreg [dreg:$0x0];
	s2 =	stileid.u32  }
0xfc: {  	s1 =	rddreg [dreg:$0x1];
	p0 =	sne.s32 s2, $0x0  }
0xfd: {  	s3 =	rddreg [dreg:$0x2];
	[bflag:$0x3] =	sbarrier.arrive $0xFFFF;
	s2 =	simm.s32 @!p0 $0x1C09  }
0xfe: {  	[timem:s3], [sflag:s2] =	dma.local @!p0 [hbm:s0], s1  }
0xff: {  	s0 =	simm.s32 @!p0 $0x9  }
0x100: {  	_ =	swait.ge @!p0 [sflag:s0], s1  }
0x101: {  	s1 =	ssub.s32 @!p0 $0x0, s1;
	[sflag:s0] =	ssyncset.done @!p0 $0x0  }
0x102: {  	[sflag:s0] =	ssyncadd.s32 @!p0 s1  }
0x103: {  	[bflag:$0x3] =	sbarrier.arrive $0xFFFF  }
0x104: {  	_ =	shalt  }

</sc_bundles>
